<compile_context>
chip_gen: v7x
topology: tpu7x:2x2x1
jax: 0.10.2.dev20260603
libtpu: 0.0.44.dev20260713+nightly
codegen_flags: <defaults>
</compile_context>

<pallas_src>
import functools

import jax
import jax.numpy as jnp
from jax import lax
from jax.experimental import pallas as pl
from jax.experimental.pallas import tpu as pltpu
from jax.experimental.pallas import tpu_sc as plsc

N = 10000
E = 320000
D = 128
T = 3
NPAD = 10240
NC, NS = 2, 16
NW = NC * NS
CH = 64
NBUF = 2
NCHUNK = 160
EPW = NCHUNK * CH
ZCH = 40
EPAD = NW * EPW
DW = 16
DROWS = NPAD // 8
ACCR = NPAD + DROWS
RPA = ACCR // NS
NVEC = CH // 16


def _sc_agg_body(feat_hbm, einter_hbm, zrows_hbm, onehot8_hbm,
                 out_hbm,
                 acc, ohtab, iraw, dstidx, degidx, modidx,
                 rows_a, rows_b, semi, semga, semgb, semsa, semsb, semz):
    staging = rows_a[0]
    staging2 = rows_a[1]
    cid = lax.axis_index("c")
    sid = lax.axis_index("s")
    wid = sid * NC + cid

    pltpu.sync_copy(zrows_hbm, staging)

    @pl.when(sid == 0)
    def _():
        pltpu.sync_copy(onehot8_hbm, rows_b[0].at[pl.ds(0, 8)])
        pltpu.sync_copy(rows_b[0].at[pl.ds(0, 8)], ohtab)

    @pl.loop(0, RPA // ZCH)
    def zchunk(i):
        off = pl.multiple_of(sid * RPA + i * ZCH, 8)
        pltpu.async_copy(staging.at[pl.ds(0, ZCH)], acc.at[pl.ds(off, ZCH)],
                         semz)

    @pl.loop(0, RPA // ZCH)
    def zdrain(i):
        off = pl.multiple_of(sid * RPA + i * ZCH, 8)
        pltpu.make_async_copy(staging.at[pl.ds(0, ZCH)],
                              acc.at[pl.ds(off, ZCH)], semz).wait()

    plsc.subcore_barrier()

    cbase = wid * NCHUNK

    def fire_idx(b, g):
        off = pl.multiple_of((cbase + g) * 2 * CH, 8)
        pltpu.async_copy(einter_hbm.at[pl.ds(off, 2 * CH)], iraw[b], semi[b])

    def wait_idx(b, g):
        off = pl.multiple_of((cbase + g) * 2 * CH, 8)
        pltpu.make_async_copy(einter_hbm.at[pl.ds(off, 2 * CH)], iraw[b],
                              semi[b]).wait()

    def prep(b):
        for k in range(NVEC):
            v = iraw[b][pl.ds(CH + k * 16, 16)]
            dstidx[b][pl.ds(k * 16, 16)] = v
            degidx[b][pl.ds(k * 16, 16)] = (v >> 3) + NPAD
            modidx[b][pl.ds(k * 16, 16)] = v & 7

    def fire_gathers(b):
        pltpu.async_copy(feat_hbm.at[iraw[b].at[pl.ds(0, CH)]],
                         rows_a[b], semga[b])
        pltpu.async_copy(ohtab.at[modidx[b]], rows_b[b], semgb[b])

    def wait_gathers(b):
        pltpu.make_async_copy(feat_hbm.at[dstidx[b]], rows_a[b],
                              semga[b]).wait()
        pltpu.make_async_copy(ohtab.at[modidx[b]], rows_b[b],
                              semgb[b]).wait()

    def fire_scatters(b):
        pltpu.async_copy(rows_a[b], acc.at[dstidx[b]], semsa[b], add=True)
        pltpu.async_copy(rows_b[b], acc.at[degidx[b]], semsb[b], add=True)

    def wait_scatters(b):
        pltpu.make_async_copy(rows_a[b], acc.at[dstidx[b]], semsa[b]).wait()
        pltpu.make_async_copy(rows_b[b], acc.at[degidx[b]], semsb[b]).wait()

    fire_idx(0, 0)
    fire_idx(1, 1)
    wait_idx(0, 0)
    prep(0)
    fire_gathers(0)
    fire_idx(0, 2)

    @pl.loop(0, NCHUNK // 2)
    def step(t):
        for p in range(2):
            g = t * 2 + p
            wait_gathers(p)
            fire_scatters(p)
            q = 1 - p
            if p == 0:
                @pl.when(t > 0)
                def _():
                    wait_scatters(q)
            else:
                wait_scatters(q)

            @pl.when(g + 1 < NCHUNK)
            def _():
                wait_idx(q, g + 1)
                prep(q)
                fire_gathers(q)

            @pl.when(g + 3 < NCHUNK)
            def _():
                fire_idx(q, g + 3)

    wait_scatters(1)
    plsc.subcore_barrier()

    NOUT = RPA // ZCH

    @pl.loop(0, NOUT // 2)
    def outpair(i):
        for p in range(2):
            j = i * 2 + p
            off = pl.multiple_of(sid * RPA + j * ZCH, 8)
            obase = pl.multiple_of(cid * ACCR + sid * RPA + j * ZCH, 8)
            stg = staging if p == 0 else staging2

            @pl.when(i > 0)
            def _():
                pltpu.make_async_copy(stg.at[pl.ds(0, ZCH)],
                                      out_hbm.at[pl.ds(obase, ZCH)],
                                      semz).wait()

            pltpu.sync_copy(acc.at[pl.ds(off, ZCH)], stg.at[pl.ds(0, ZCH)])
            pltpu.async_copy(stg.at[pl.ds(0, ZCH)],
                             out_hbm.at[pl.ds(obase, ZCH)], semz)

    for p in range(2):
        stg = staging if p == 0 else staging2
        obase = pl.multiple_of(cid * ACCR + sid * RPA, 8)
        pltpu.make_async_copy(stg.at[pl.ds(0, ZCH)],
                              out_hbm.at[pl.ds(obase, ZCH)], semz).wait()


def _sc_aggregate(features, einter):
    mesh = plsc.VectorSubcoreMesh(core_axis_name="c", subcore_axis_name="s")
    zrows = jnp.zeros((CH, D), jnp.float32)
    onehot8 = jnp.zeros((8, D), jnp.float32)
    onehot8 = onehot8.at[jnp.arange(8), jnp.arange(8) * DW].set(1.0)
    call = pl.kernel(
        _sc_agg_body,
        out_type=jax.ShapeDtypeStruct((NC * ACCR, D), jnp.float32),
        mesh=mesh,
        scratch_types=[
            pltpu.VMEM_SHARED((ACCR, D), jnp.float32),
            pltpu.VMEM_SHARED((8, D), jnp.float32),
            [pltpu.VMEM((2 * CH,), jnp.int32) for _ in range(NBUF)],
            [pltpu.VMEM((CH,), jnp.int32) for _ in range(NBUF)],
            [pltpu.VMEM((CH,), jnp.int32) for _ in range(NBUF)],
            [pltpu.VMEM((CH,), jnp.int32) for _ in range(NBUF)],
            [pltpu.VMEM((CH, D), jnp.float32) for _ in range(NBUF)],
            [pltpu.VMEM((CH, D), jnp.float32) for _ in range(NBUF)],
            [pltpu.SemaphoreType.DMA for _ in range(NBUF)],
            [pltpu.SemaphoreType.DMA for _ in range(NBUF)],
            [pltpu.SemaphoreType.DMA for _ in range(NBUF)],
            [pltpu.SemaphoreType.DMA for _ in range(NBUF)],
            [pltpu.SemaphoreType.DMA for _ in range(NBUF)],
            pltpu.SemaphoreType.DMA,
        ],
    )
    return call(features, einter, zrows, onehot8)


def _k1_body(x_ref, wrT_ref, br_ref, feat_ref):
    x = x_ref[...]
    feat_ref[...] = jax.nn.relu(
        jnp.dot(x, wrT_ref[...], preferred_element_type=jnp.float32)
        + br_ref[...]
    )


def _k2_body(p0_ref, p1_ref, d0_ref, d1_ref, feat_ref,
             wwT_ref, bw_ref, wihT_ref, bih_ref, whhT_ref, bhh_ref,
             lng_ref, lnb_ref, out_ref):
    deg = jnp.maximum(d0_ref[:, 0:1] + d1_ref[:, 0:1], 1.0)
    fmean = (p0_ref[...] + p1_ref[...]) / deg
    h = jnp.dot(fmean, wwT_ref[...], preferred_element_type=jnp.float32) + bw_ref[...]
    gi = jnp.dot(h, wihT_ref[...], preferred_element_type=jnp.float32) + bih_ref[...]
    i_r = gi[:, 0:D]
    i_i = gi[:, D:2 * D]
    i_n = gi[:, 2 * D:3 * D]
    lng = lng_ref[...]
    lnb = lnb_ref[...]

    def ln(x, k):
        mu = jnp.mean(x, axis=-1, keepdims=True)
        var = jnp.mean((x - mu) ** 2, axis=-1, keepdims=True)
        return (x - mu) / jnp.sqrt(var + 1e-5) * lng[k:k + 1, :] + lnb[k:k + 1, :]

    feat = feat_ref[...]
    for _ in range(T):
        gh = jnp.dot(feat, whhT_ref[...], preferred_element_type=jnp.float32) + bhh_ref[...]
        h_r = gh[:, 0:D]
        h_i = gh[:, D:2 * D]
        h_n = gh[:, 2 * D:3 * D]
        r = jax.nn.sigmoid(ln(i_r + h_r, 0))
        z = jax.nn.sigmoid(ln(i_i + h_i, 1))
        n = jnp.tanh(ln(i_n + r * h_n, 2))
        feat = n + z * (feat - n)
    out_ref[...] = jax.nn.relu(feat)


def kernel(features, edge_index, W_reduce, b_reduce, W_weight, b_weight,
           w_ih, b_ih, w_hh, b_hh,
           ln_r_g, ln_r_b, ln_i_g, ln_i_b, ln_n_g, ln_n_b):
    features_pad = jnp.pad(features, ((0, NPAD - N), (0, 0)))
    src = jnp.concatenate([edge_index[0], jnp.zeros((EPAD - E,), jnp.int32)])
    dst = jnp.concatenate([edge_index[1],
                           jnp.full((EPAD - E,), N, jnp.int32)])
    einter = jnp.concatenate([src.reshape(-1, CH), dst.reshape(-1, CH)],
                             axis=1).reshape(-1)

    agg = _sc_aggregate(features, einter)
    p0 = agg[:NPAD]
    d0 = agg[NPAD:ACCR].reshape(NPAD, DW)
    p1 = agg[ACCR:ACCR + NPAD]
    d1 = agg[ACCR + NPAD:].reshape(NPAD, DW)

    R = 1024
    grid = NPAD // R

    feat_pad = pl.pallas_call(
        _k1_body,
        grid=(grid,),
        in_specs=[
            pl.BlockSpec((R, D), lambda i: (i, 0)),
            pl.BlockSpec((D, D), lambda i: (0, 0)),
            pl.BlockSpec((1, D), lambda i: (0, 0)),
        ],
        out_specs=pl.BlockSpec((R, D), lambda i: (i, 0)),
        out_shape=jax.ShapeDtypeStruct((NPAD, D), jnp.float32),
    )(features_pad, W_reduce.T, b_reduce.reshape(1, D))

    lng = jnp.stack([ln_r_g, ln_i_g, ln_n_g])
    lnb = jnp.stack([ln_r_b, ln_i_b, ln_n_b])

    out_pad = pl.pallas_call(
        _k2_body,
        grid=(grid,),
        in_specs=[
            pl.BlockSpec((R, D), lambda i: (i, 0)),
            pl.BlockSpec((R, D), lambda i: (i, 0)),
            pl.BlockSpec((R, DW), lambda i: (i, 0)),
            pl.BlockSpec((R, DW), lambda i: (i, 0)),
            pl.BlockSpec((R, D), lambda i: (i, 0)),
            pl.BlockSpec((D, D), lambda i: (0, 0)),
            pl.BlockSpec((1, D), lambda i: (0, 0)),
            pl.BlockSpec((D, 3 * D), lambda i: (0, 0)),
            pl.BlockSpec((1, 3 * D), lambda i: (0, 0)),
            pl.BlockSpec((D, 3 * D), lambda i: (0, 0)),
            pl.BlockSpec((1, 3 * D), lambda i: (0, 0)),
            pl.BlockSpec((3, D), lambda i: (0, 0)),
            pl.BlockSpec((3, D), lambda i: (0, 0)),
        ],
        out_specs=pl.BlockSpec((R, D), lambda i: (i, 0)),
        out_shape=jax.ShapeDtypeStruct((NPAD, D), jnp.float32),
    )(p0, p1, d0, d1,
      feat_pad, W_weight.T, b_weight.reshape(1, D),
      w_ih.T, b_ih.reshape(1, 3 * D), w_hh.T, b_hh.reshape(1, 3 * D),
      lng, lnb)

    return out_pad[:N]

# --- scband reference (transcript-rebuilt; emitter-appended) ---
"""Pipeline reference for scband-gated-rgcnlayer-6253472383689 (READ-ONLY COPY).

The authoritative reference and input builder live on the scoring server;
editing this copy changes nothing except your own understanding.
"""

import jax, jax.numpy as jnp
import numpy as np

N_NODES = 10000
N_EDGES = 320000
D = 128
N_TIMESTEPS = 3


def _layer_norm(x, g, b):
    mu = jnp.mean(x, axis=-1, keepdims=True)
    var = jnp.var(x, axis=-1, keepdims=True)
    return (x - mu) / jnp.sqrt(var + 1e-5) * g + b


def setup_inputs(seed: int = 0) -> dict:
    key = jax.random.key(seed)
    ks = jax.random.split(key, 16)
    stdv = 1.0 / np.sqrt(D)
    features = jax.random.normal(ks[0], (N_NODES, D), dtype=jnp.float32)
    edge_index = jax.random.randint(ks[1], (2, N_EDGES), 0, N_NODES, dtype=jnp.int32)
    W_reduce = jax.random.uniform(ks[2], (D, D), jnp.float32, -stdv, stdv)
    b_reduce = jax.random.uniform(ks[3], (D,), jnp.float32, -stdv, stdv)
    W_weight = jax.random.uniform(ks[4], (D, D), jnp.float32, -stdv, stdv)
    b_weight = jax.random.uniform(ks[5], (D,), jnp.float32, -stdv, stdv)
    w_ih = jax.random.uniform(ks[6], (3 * D, D), jnp.float32, -stdv, stdv)
    b_ih = jax.random.uniform(ks[7], (3 * D,), jnp.float32, -stdv, stdv)
    w_hh = jax.random.uniform(ks[8], (3 * D, D), jnp.float32, -stdv, stdv)
    b_hh = jax.random.uniform(ks[9], (3 * D,), jnp.float32, -stdv, stdv)
    ln_r_g = jnp.ones((D,), jnp.float32); ln_r_b = jnp.zeros((D,), jnp.float32)
    ln_i_g = jnp.ones((D,), jnp.float32); ln_i_b = jnp.zeros((D,), jnp.float32)
    ln_n_g = jnp.ones((D,), jnp.float32); ln_n_b = jnp.zeros((D,), jnp.float32)
    return {
        'features': features, 'edge_index': edge_index,
        'W_reduce': W_reduce, 'b_reduce': b_reduce,
        'W_weight': W_weight, 'b_weight': b_weight,
        'w_ih': w_ih, 'b_ih': b_ih, 'w_hh': w_hh, 'b_hh': b_hh,
        'ln_r_g': ln_r_g, 'ln_r_b': ln_r_b,
        'ln_i_g': ln_i_g, 'ln_i_b': ln_i_b,
        'ln_n_g': ln_n_g, 'ln_n_b': ln_n_b,
    }


def reference(features, edge_index, W_reduce, b_reduce, W_weight, b_weight,
              w_ih, b_ih, w_hh, b_hh,
              ln_r_g, ln_r_b, ln_i_g, ln_i_b, ln_n_g, ln_n_b):
    src = edge_index[0]
    dst = edge_index[1]
    # feat = activation(reduce(features))
    feat = jax.nn.relu(features @ W_reduce.T + b_reduce)
    # precompute in-degree for mean aggregation (clamped to avoid div-by-zero)
    deg = jax.ops.segment_sum(jnp.ones((src.shape[0],), jnp.float32), dst, num_segments=N_NODES)
    deg = jnp.maximum(deg, 1.0)
    for _ in range(N_TIMESTEPS):
        Wh = features @ W_weight.T + b_weight
        # copy_u -> mean aggregation over incoming edges
        msg = jnp.take(Wh, src, axis=0)
        h = jax.ops.segment_sum(msg, dst, num_segments=N_NODES) / deg[:, None]
        # LayerNormGRUCell(h, feat)
        gi = h @ w_ih.T + b_ih
        gh = feat @ w_hh.T + b_hh
        i_r, i_i, i_n = jnp.split(gi, 3, axis=1)
        h_r, h_i, h_n = jnp.split(gh, 3, axis=1)
        resetgate = jax.nn.sigmoid(_layer_norm(i_r + h_r, ln_r_g, ln_r_b))
        inputgate = jax.nn.sigmoid(_layer_norm(i_i + h_i, ln_i_g, ln_i_b))
        newgate = jnp.tanh(_layer_norm(i_n + resetgate * h_n, ln_n_g, ln_n_b))
        feat = newgate + inputgate * (feat - newgate)
    return jax.nn.relu(feat)

if __name__ == "__main__":
    import jax
    _d = setup_inputs()
    print(jax.jit(kernel)(*tuple(_d.values())))

</pallas_src>

<mosaic_0001>
#map = affine_map<(d0, d1) -> (0, 0)>
#map1 = affine_map<(d0, d1) -> (0)>
module attributes {stable_mosaic.version = 14 : i64} {
  func.func @_sc_agg_body(%arg0: i32, %arg1: i32, %arg2: memref<10000x128xf32, #tpu.memory_space<hbm>>, %arg3: memref<655360xi32, #tpu.memory_space<hbm>>, %arg4: memref<64x128xf32, #tpu.memory_space<hbm>>, %arg5: memref<8x128xf32, #tpu.memory_space<hbm>>, %arg6: memref<23040x128xf32, #tpu.memory_space<hbm>>, %arg7: memref<11520x128xf32, #tpu.memory_space<vmem_shared>>, %arg8: memref<8x128xf32, #tpu.memory_space<vmem_shared>>, %arg9: memref<128xi32, #tpu.memory_space<vmem>>, %arg10: memref<128xi32, #tpu.memory_space<vmem>>, %arg11: memref<64xi32, #tpu.memory_space<vmem>>, %arg12: memref<64xi32, #tpu.memory_space<vmem>>, %arg13: memref<64xi32, #tpu.memory_space<vmem>>, %arg14: memref<64xi32, #tpu.memory_space<vmem>>, %arg15: memref<64xi32, #tpu.memory_space<vmem>>, %arg16: memref<64xi32, #tpu.memory_space<vmem>>, %arg17: memref<64x128xf32, #tpu.memory_space<vmem>>, %arg18: memref<64x128xf32, #tpu.memory_space<vmem>>, %arg19: memref<64x128xf32, #tpu.memory_space<vmem>>, %arg20: memref<64x128xf32, #tpu.memory_space<vmem>>, %arg21: memref<!tpu.dma_semaphore, #tpu.memory_space<semaphore_mem>>, %arg22: memref<!tpu.dma_semaphore, #tpu.memory_space<semaphore_mem>>, %arg23: memref<!tpu.dma_semaphore, #tpu.memory_space<semaphore_mem>>, %arg24: memref<!tpu.dma_semaphore, #tpu.memory_space<semaphore_mem>>, %arg25: memref<!tpu.dma_semaphore, #tpu.memory_space<semaphore_mem>>, %arg26: memref<!tpu.dma_semaphore, #tpu.memory_space<semaphore_mem>>, %arg27: memref<!tpu.dma_semaphore, #tpu.memory_space<semaphore_mem>>, %arg28: memref<!tpu.dma_semaphore, #tpu.memory_space<semaphore_mem>>, %arg29: memref<!tpu.dma_semaphore, #tpu.memory_space<semaphore_mem>>, %arg30: memref<!tpu.dma_semaphore, #tpu.memory_space<semaphore_mem>>, %arg31: memref<!tpu.dma_semaphore, #tpu.memory_space<semaphore_mem>>) attributes {dimension_semantics = [#tpu.dimension_semantics<core_parallel>, #tpu.dimension_semantics<subcore_parallel>], iteration_bounds = array<i64: 2, 16>, scalar_prefetch = 0 : i64, scratch_operands = 25 : i64, tpu.core_type = #tpu.core_type<sc_vector_subcore>, window_params = [{transform_indices = #map}, {transform_indices = #map1}, {transform_indices = #map}, {transform_indices = #map}, {transform_indices = #map}]} {
    %mul3A = arith.constant 2 : i32
    %mul3A_0 = arith.muli %arg1, %mul3A : i32
    %add3A = arith.addi %mul3A_0, %arg0 : i32
    "tpu.region"() ({
      %run_scoped3A = tpu.sem_alloc : memref<!tpu.dma_semaphore, #tpu.memory_space<semaphore_mem>>
      tpu.enqueue_dma source(%arg4 : memref<64x128xf32, #tpu.memory_space<hbm>>) target(%arg17 : memref<64x128xf32, #tpu.memory_space<vmem>>) target_semaphore(%run_scoped3A : memref<!tpu.dma_semaphore, #tpu.memory_space<semaphore_mem>>)
      tpu.wait_dma2 semaphore(%run_scoped3A : memref<!tpu.dma_semaphore, #tpu.memory_space<semaphore_mem>>) src(%arg4 : memref<64x128xf32, #tpu.memory_space<hbm>>) dst(%arg17 : memref<64x128xf32, #tpu.memory_space<vmem>>)
      tpu.yield
    }) : () -> ()
    %eq3A = arith.constant 0 : i32
    %eq3A_1 = arith.cmpi eq, %arg1, %eq3A : i32
    %convert_element_type3A = arith.extui %eq3A_1 : i1 to i32
    %cond3A = arith.constant 0 : i32
    %cond3A_2 = arith.cmpi ne, %convert_element_type3A, %cond3A : i32
    scf.if %cond3A_2 {
      "tpu.region"() ({
        %run_scoped3A = tpu.sem_alloc : memref<!tpu.dma_semaphore, #tpu.memory_space<semaphore_mem>>
        %dma_start3A_196 = arith.constant 0 : i32
        %dma_start3A_197 = arith.constant 0 : i32
        %dma_start3A_198 = tpu.memref_slice %arg19[%dma_start3A_196, %dma_start3A_197] : memref<64x128xf32, #tpu.memory_space<vmem>> -> memref<8x128xf32, #tpu.memory_space<vmem>>
        %dma_start3A_199 = arith.constant 0 : i32
        %dma_start3A_200 = arith.constant 0 : i32
        %dma_start3A_201 = tpu.memref_slice %arg19[%dma_start3A_199, %dma_start3A_200] : memref<64x128xf32, #tpu.memory_space<vmem>> -> memref<8x128xf32, #tpu.memory_space<vmem>>
        tpu.enqueue_dma source(%arg5 : memref<8x128xf32, #tpu.memory_space<hbm>>) target(%dma_start3A_201 : memref<8x128xf32, #tpu.memory_space<vmem>>) target_semaphore(%run_scoped3A : memref<!tpu.dma_semaphore, #tpu.memory_space<semaphore_mem>>)
        %dma_wait3A_202 = arith.constant 0 : i32
        %dma_wait3A_203 = arith.constant 0 : i32
        %dma_wait3A_204 = tpu.memref_slice %arg19[%dma_wait3A_202, %dma_wait3A_203] : memref<64x128xf32, #tpu.memory_space<vmem>> -> memref<8x128xf32, #tpu.memory_space<vmem>>
        %dma_wait3A_205 = arith.constant 0 : i32
        %dma_wait3A_206 = arith.constant 0 : i32
        %dma_wait3A_207 = tpu.memref_slice %arg19[%dma_wait3A_205, %dma_wait3A_206] : memref<64x128xf32, #tpu.memory_space<vmem>> -> memref<8x128xf32, #tpu.memory_space<vmem>>
        tpu.wait_dma2 semaphore(%run_scoped3A : memref<!tpu.dma_semaphore, #tpu.memory_space<semaphore_mem>>) src(%arg5 : memref<8x128xf32, #tpu.memory_space<hbm>>) dst(%dma_wait3A_207 : memref<8x128xf32, #tpu.memory_space<vmem>>)
        tpu.yield
      }) : () -> ()
      "tpu.region"() ({
        %run_scoped3A = tpu.sem_alloc : memref<!tpu.dma_semaphore, #tpu.memory_space<semaphore_mem>>
        %dma_start3A_196 = arith.constant 0 : i32
        %dma_start3A_197 = arith.constant 0 : i32
        %dma_start3A_198 = tpu.memref_slice %arg19[%dma_start3A_196, %dma_start3A_197] : memref<64x128xf32, #tpu.memory_space<vmem>> -> memref<8x128xf32, #tpu.memory_space<vmem>>
        %dma_start3A_199 = arith.constant 0 : i32
        %dma_start3A_200 = arith.constant 0 : i32
        %dma_start3A_201 = tpu.memref_slice %arg19[%dma_start3A_199, %dma_start3A_200] : memref<64x128xf32, #tpu.memory_space<vmem>> -> memref<8x128xf32, #tpu.memory_space<vmem>>
        tpu.enqueue_dma source(%dma_start3A_201 : memref<8x128xf32, #tpu.memory_space<vmem>>) target(%arg8 : memref<8x128xf32, #tpu.memory_space<vmem_shared>>) target_semaphore(%run_scoped3A : memref<!tpu.dma_semaphore, #tpu.memory_space<semaphore_mem>>)
        %dma_wait3A_202 = arith.constant 0 : i32
        %dma_wait3A_203 = arith.constant 0 : i32
        %dma_wait3A_204 = tpu.memref_slice %arg19[%dma_wait3A_202, %dma_wait3A_203] : memref<64x128xf32, #tpu.memory_space<vmem>> -> memref<8x128xf32, #tpu.memory_space<vmem>>
        %dma_wait3A_205 = arith.constant 0 : i32
        %dma_wait3A_206 = arith.constant 0 : i32
        %dma_wait3A_207 = tpu.memref_slice %arg19[%dma_wait3A_205, %dma_wait3A_206] : memref<64x128xf32, #tpu.memory_space<vmem>> -> memref<8x128xf32, #tpu.memory_space<vmem>>
        tpu.wait_dma2 semaphore(%run_scoped3A : memref<!tpu.dma_semaphore, #tpu.memory_space<semaphore_mem>>) src(%dma_wait3A_207 : memref<8x128xf32, #tpu.memory_space<vmem>>) dst(%arg8 : memref<8x128xf32, #tpu.memory_space<vmem_shared>>)
        tpu.yield
      }) : () -> ()
    } else {
    }
    %scan3A = arith.constant 0 : i32
    %scan3A_3 = arith.constant 18 : i32
    %scan3A_4 = arith.addi %scan3A, %scan3A_3 : i32
    %scan3A_5 = arith.constant 1 : i32
    scf.for %scan3A_196 = %scan3A to %scan3A_4 step %scan3A_5  : i32 {
      %mul3A_197 = arith.constant 1 : i32
      %mul3A_198 = arith.muli %scan3A_196, %mul3A_197 : i32
      %add3A_199 = arith.constant 0 : i32
      %add3A_200 = arith.addi %add3A_199, %mul3A_198 : i32
      %mul3A_201 = arith.constant 720 : i32
      %mul3A_202 = arith.muli %arg1, %mul3A_201 : i32
      %mul3A_203 = arith.constant 40 : i32
      %mul3A_204 = arith.muli %add3A_200, %mul3A_203 : i32
      %add3A_205 = arith.addi %mul3A_202, %mul3A_204 : i32
      %multiple_of3A_206 = tpu.assume_multiple %add3A_205, 8 : i32
      %dma_start3A_207 = arith.constant 0 : i32
      %dma_start3A_208 = arith.constant 0 : i32
      %dma_start3A_209 = tpu.memref_slice %arg17[%dma_start3A_207, %dma_start3A_208] : memref<64x128xf32, #tpu.memory_space<vmem>> -> memref<40x128xf32, #tpu.memory_space<vmem>>
      %dma_start3A_210 = arith.constant 0 : i32
      %dma_start3A_211 = tpu.memref_slice %arg7[%multiple_of3A_206, %dma_start3A_210] : memref<11520x128xf32, #tpu.memory_space<vmem_shared>> -> memref<40x128xf32, #tpu.memory_space<vmem_shared>>
      %dma_start3A_212 = arith.constant 0 : i32
      %dma_start3A_213 = tpu.memref_slice %arg7[%multiple_of3A_206, %dma_start3A_212] : memref<11520x128xf32, #tpu.memory_space<vmem_shared>> -> memref<40x128xf32, #tpu.memory_space<vmem_shared>>
      %dma_start3A_214 = arith.constant 0 : i32
      %dma_start3A_215 = arith.constant 0 : i32
      %dma_start3A_216 = tpu.memref_slice %arg17[%dma_start3A_214, %dma_start3A_215] : memref<64x128xf32, #tpu.memory_space<vmem>> -> memref<40x128xf32, #tpu.memory_space<vmem>>
      tpu.enqueue_dma source(%dma_start3A_216 : memref<40x128xf32, #tpu.memory_space<vmem>>) target(%dma_start3A_213 : memref<40x128xf32, #tpu.memory_space<vmem_shared>>) target_semaphore(%arg31 : memref<!tpu.dma_semaphore, #tpu.memory_space<semaphore_mem>>)
    }
    %scan3A_6 = arith.constant 18 : i32
    %scan3A_7 = arith.constant 0 : i32
    %scan3A_8 = arith.constant 18 : i32
    %scan3A_9 = arith.addi %scan3A_7, %scan3A_8 : i32
    %scan3A_10 = arith.constant 1 : i32
    scf.for %scan3A_196 = %scan3A_7 to %scan3A_9 step %scan3A_10  : i32 {
      %mul3A_197 = arith.constant 1 : i32
      %mul3A_198 = arith.muli %scan3A_196, %mul3A_197 : i32
      %add3A_199 = arith.constant 0 : i32
      %add3A_200 = arith.addi %add3A_199, %mul3A_198 : i32
      %mul3A_201 = arith.constant 720 : i32
      %mul3A_202 = arith.muli %arg1, %mul3A_201 : i32
      %mul3A_203 = arith.constant 40 : i32
      %mul3A_204 = arith.muli %add3A_200, %mul3A_203 : i32
      %add3A_205 = arith.addi %mul3A_202, %mul3A_204 : i32
      %multiple_of3A_206 = tpu.assume_multiple %add3A_205, 8 : i32
      %dma_wait3A_207 = arith.constant 0 : i32
      %dma_wait3A_208 = arith.constant 0 : i32
      %dma_wait3A_209 = tpu.memref_slice %arg17[%dma_wait3A_207, %dma_wait3A_208] : memref<64x128xf32, #tpu.memory_space<vmem>> -> memref<40x128xf32, #tpu.memory_space<vmem>>
      %dma_wait3A_210 = arith.constant 0 : i32
      %dma_wait3A_211 = tpu.memref_slice %arg7[%multiple_of3A_206, %dma_wait3A_210] : memref<11520x128xf32, #tpu.memory_space<vmem_shared>> -> memref<40x128xf32, #tpu.memory_space<vmem_shared>>
      %dma_wait3A_212 = arith.constant 0 : i32
      %dma_wait3A_213 = tpu.memref_slice %arg7[%multiple_of3A_206, %dma_wait3A_212] : memref<11520x128xf32, #tpu.memory_space<vmem_shared>> -> memref<40x128xf32, #tpu.memory_space<vmem_shared>>
      %dma_wait3A_214 = arith.constant 0 : i32
      %dma_wait3A_215 = arith.constant 0 : i32
      %dma_wait3A_216 = tpu.memref_slice %arg17[%dma_wait3A_214, %dma_wait3A_215] : memref<64x128xf32, #tpu.memory_space<vmem>> -> memref<40x128xf32, #tpu.memory_space<vmem>>
      tpu.wait_dma2 semaphore(%arg31 : memref<!tpu.dma_semaphore, #tpu.memory_space<semaphore_mem>>) src(%dma_wait3A_216 : memref<40x128xf32, #tpu.memory_space<vmem>>) dst(%dma_wait3A_213 : memref<40x128xf32, #tpu.memory_space<vmem_shared>>)
    }
    %scan3A_11 = arith.constant 18 : i32
    %barrier3A = arith.constant 0 : index
    tpu.barrier barrier_id(%barrier3A)
    %mul3A_12 = arith.constant 160 : i32
    %mul3A_13 = arith.muli %add3A, %mul3A_12 : i32
    %add3A_14 = arith.constant 0 : i32
    %add3A_15 = arith.addi %mul3A_13, %add3A_14 : i32
    %mul3A_16 = arith.constant 2 : i32
    %mul3A_17 = arith.muli %add3A_15, %mul3A_16 : i32
    %mul3A_18 = arith.constant 64 : i32
    %mul3A_19 = arith.muli %mul3A_17, %mul3A_18 : i32
    %multiple_of3A = tpu.assume_multiple %mul3A_19, 8 : i32
    %dma_start3A = tpu.memref_slice %arg3[%multiple_of3A] : memref<655360xi32, #tpu.memory_space<hbm>> -> memref<128xi32, #tpu.memory_space<hbm>>
    %dma_start3A_20 = tpu.memref_slice %arg3[%multiple_of3A] : memref<655360xi32, #tpu.memory_space<hbm>> -> memref<128xi32, #tpu.memory_space<hbm>>
    tpu.enqueue_dma source(%dma_start3A_20 : memref<128xi32, #tpu.memory_space<hbm>>) target(%arg9 : memref<128xi32, #tpu.memory_space<vmem>>) target_semaphore(%arg21 : memref<!tpu.dma_semaphore, #tpu.memory_space<semaphore_mem>>)
    %add3A_21 = arith.constant 1 : i32
    %add3A_22 = arith.addi %mul3A_13, %add3A_21 : i32
    %mul3A_23 = arith.constant 2 : i32
    %mul3A_24 = arith.muli %add3A_22, %mul3A_23 : i32
    %mul3A_25 = arith.constant 64 : i32
    %mul3A_26 = arith.muli %mul3A_24, %mul3A_25 : i32
    %multiple_of3A_27 = tpu.assume_multiple %mul3A_26, 8 : i32
    %dma_start3A_28 = tpu.memref_slice %arg3[%multiple_of3A_27] : memref<655360xi32, #tpu.memory_space<hbm>> -> memref<128xi32, #tpu.memory_space<hbm>>
    %dma_start3A_29 = tpu.memref_slice %arg3[%multiple_of3A_27] : memref<655360xi32, #tpu.memory_space<hbm>> -> memref<128xi32, #tpu.memory_space<hbm>>
    tpu.enqueue_dma source(%dma_start3A_29 : memref<128xi32, #tpu.memory_space<hbm>>) target(%arg10 : memref<128xi32, #tpu.memory_space<vmem>>) target_semaphore(%arg22 : memref<!tpu.dma_semaphore, #tpu.memory_space<semaphore_mem>>)
    %add3A_30 = arith.constant 0 : i32
    %add3A_31 = arith.addi %mul3A_13, %add3A_30 : i32
    %mul3A_32 = arith.constant 2 : i32
    %mul3A_33 = arith.muli %add3A_31, %mul3A_32 : i32
    %mul3A_34 = arith.constant 64 : i32
    %mul3A_35 = arith.muli %mul3A_33, %mul3A_34 : i32
    %multiple_of3A_36 = tpu.assume_multiple %mul3A_35, 8 : i32
    %dma_wait3A = tpu.memref_slice %arg3[%multiple_of3A_36] : memref<655360xi32, #tpu.memory_space<hbm>> -> memref<128xi32, #tpu.memory_space<hbm>>
    %dma_wait3A_37 = tpu.memref_slice %arg3[%multiple_of3A_36] : memref<655360xi32, #tpu.memory_space<hbm>> -> memref<128xi32, #tpu.memory_space<hbm>>
    tpu.wait_dma2 semaphore(%arg21 : memref<!tpu.dma_semaphore, #tpu.memory_space<semaphore_mem>>) src(%dma_wait3A_37 : memref<128xi32, #tpu.memory_space<hbm>>) dst(%arg9 : memref<128xi32, #tpu.memory_space<vmem>>)
    %get3A = arith.constant 64 : index
    %get3A_38 = tpu.vector_load %arg9[%get3A] {strides = array<i32>} : memref<128xi32, #tpu.memory_space<vmem>>, vector<16xi32>,
    %get3A_39 = vector.shape_cast %get3A_38 : vector<16xi32> to vector<16xi32>
    %swap3A = arith.constant 0 : index
    %swap3A_40 = tpu.vector_load %arg11[%swap3A] {strides = array<i32>} : memref<64xi32, #tpu.memory_space<vmem>>, vector<16xi32>,
    %swap3A_41 = vector.shape_cast %swap3A_40 : vector<16xi32> to vector<16xi32>
    %swap3A_42 = vector.shape_cast %get3A_39 : vector<16xi32> to vector<16xi32>
    tpu.vector_store %arg11[%swap3A], %swap3A_42 {strides = array<i32>} : memref<64xi32, #tpu.memory_space<vmem>>, vector<16xi32>,
    %shift_right_arithmetic3A = arith.constant 3 : i32
    %shift_right_arithmetic3A_43 = vector.broadcast %shift_right_arithmetic3A : i32 to vector<16xi32>
    %shift_right_arithmetic3A_44 = arith.shrsi %get3A_39, %shift_right_arithmetic3A_43 : vector<16xi32>
    %add3A_45 = arith.constant 10240 : i32
    %add3A_46 = vector.broadcast %add3A_45 : i32 to vector<16xi32>
    %add3A_47 = arith.addi %shift_right_arithmetic3A_44, %add3A_46 : vector<16xi32>
    %swap3A_48 = arith.constant 0 : index
    %swap3A_49 = tpu.vector_load %arg13[%swap3A_48] {strides = array<i32>} : memref<64xi32, #tpu.memory_space<vmem>>, vector<16xi32>,
    %swap3A_50 = vector.shape_cast %swap3A_49 : vector<16xi32> to vector<16xi32>
    %swap3A_51 = vector.shape_cast %add3A_47 : vector<16xi32> to vector<16xi32>
    tpu.vector_store %arg13[%swap3A_48], %swap3A_51 {strides = array<i32>} : memref<64xi32, #tpu.memory_space<vmem>>, vector<16xi32>,
    %and3A = arith.constant 7 : i32
    %and3A_52 = vector.broadcast %and3A : i32 to vector<16xi32>
    %and3A_53 = arith.andi %get3A_39, %and3A_52 : vector<16xi32>
    %swap3A_54 = arith.constant 0 : index
    %swap3A_55 = tpu.vector_load %arg15[%swap3A_54] {strides = array<i32>} : memref<64xi32, #tpu.memory_space<vmem>>, vector<16xi32>,
    %swap3A_56 = vector.shape_cast %swap3A_55 : vector<16xi32> to vector<16xi32>
    %swap3A_57 = vector.shape_cast %and3A_53 : vector<16xi32> to vector<16xi32>
    tpu.vector_store %arg15[%swap3A_54], %swap3A_57 {strides = array<i32>} : memref<64xi32, #tpu.memory_space<vmem>>, vector<16xi32>,
    %get3A_58 = arith.constant 80 : index
    %get3A_59 = tpu.vector_load %arg9[%get3A_58] {strides = array<i32>} : memref<128xi32, #tpu.memory_space<vmem>>, vector<16xi32>,
    %get3A_60 = vector.shape_cast %get3A_59 : vector<16xi32> to vector<16xi32>
    %swap3A_61 = arith.constant 16 : index
    %swap3A_62 = tpu.vector_load %arg11[%swap3A_61] {strides = array<i32>} : memref<64xi32, #tpu.memory_space<vmem>>, vector<16xi32>,
    %swap3A_63 = vector.shape_cast %swap3A_62 : vector<16xi32> to vector<16xi32>
    %swap3A_64 = vector.shape_cast %get3A_60 : vector<16xi32> to vector<16xi32>
    tpu.vector_store %arg11[%swap3A_61], %swap3A_64 {strides = array<i32>} : memref<64xi32, #tpu.memory_space<vmem>>, vector<16xi32>,
    %shift_right_arithmetic3A_65 = arith.constant 3 : i32
    %shift_right_arithmetic3A_66 = vector.broadcast %shift_right_arithmetic3A_65 : i32 to vector<16xi32>
    %shift_right_arithmetic3A_67 = arith.shrsi %get3A_60, %shift_right_arithmetic3A_66 : vector<16xi32>
    %add3A_68 = arith.constant 10240 : i32
    %add3A_69 = vector.broadcast %add3A_68 : i32 to vector<16xi32>
    %add3A_70 = arith.addi %shift_right_arithmetic3A_67, %add3A_69 : vector<16xi32>
    %swap3A_71 = arith.constant 16 : index
    %swap3A_72 = tpu.vector_load %arg13[%swap3A_71] {strides = array<i32>} : memref<64xi32, #tpu.memory_space<vmem>>, vector<16xi32>,
    %swap3A_73 = vector.shape_cast %swap3A_72 : vector<16xi32> to vector<16xi32>
    %swap3A_74 = vector.shape_cast %add3A_70 : vector<16xi32> to vector<16xi32>
    tpu.vector_store %arg13[%swap3A_71], %swap3A_74 {strides = array<i32>} : memref<64xi32, #tpu.memory_space<vmem>>, vector<16xi32>,
    %and3A_75 = arith.constant 7 : i32
    %and3A_76 = vector.broadcast %and3A_75 : i32 to vector<16xi32>
    %and3A_77 = arith.andi %get3A_60, %and3A_76 : vector<16xi32>
    %swap3A_78 = arith.constant 16 : index
    %swap3A_79 = tpu.vector_load %arg15[%swap3A_78] {strides = array<i32>} : memref<64xi32, #tpu.memory_space<vmem>>, vector<16xi32>,
    %swap3A_80 = vector.shape_cast %swap3A_79 : vector<16xi32> to vector<16xi32>
    %swap3A_81 = vector.shape_cast %and3A_77 : vector<16xi32> to vector<16xi32>
    tpu.vector_store %arg15[%swap3A_78], %swap3A_81 {strides = array<i32>} : memref<64xi32, #tpu.memory_space<vmem>>, vector<16xi32>,
    %get3A_82 = arith.constant 96 : index
    %get3A_83 = tpu.vector_load %arg9[%get3A_82] {strides = array<i32>} : memref<128xi32, #tpu.memory_space<vmem>>, vector<16xi32>,
    %get3A_84 = vector.shape_cast %get3A_83 : vector<16xi32> to vector<16xi32>
    %swap3A_85 = arith.constant 32 : index
    %swap3A_86 = tpu.vector_load %arg11[%swap3A_85] {strides = array<i32>} : memref<64xi32, #tpu.memory_space<vmem>>, vector<16xi32>,
    %swap3A_87 = vector.shape_cast %swap3A_86 : vector<16xi32> to vector<16xi32>
    %swap3A_88 = vector.shape_cast %get3A_84 : vector<16xi32> to vector<16xi32>
    tpu.vector_store %arg11[%swap3A_85], %swap3A_88 {strides = array<i32>} : memref<64xi32, #tpu.memory_space<vmem>>, vector<16xi32>,
    %shift_right_arithmetic3A_89 = arith.constant 3 : i32
    %shift_right_arithmetic3A_90 = vector.broadcast %shift_right_arithmetic3A_89 : i32 to vector<16xi32>
    %shift_right_arithmetic3A_91 = arith.shrsi %get3A_84, %shift_right_arithmetic3A_90 : vector<16xi32>
    %add3A_92 = arith.constant 10240 : i32
    %add3A_93 = vector.broadcast %add3A_92 : i32 to vector<16xi32>
    %add3A_94 = arith.addi %shift_right_arithmetic3A_91, %add3A_93 : vector<16xi32>
    %swap3A_95 = arith.constant 32 : index
    %swap3A_96 = tpu.vector_load %arg13[%swap3A_95] {strides = array<i32>} : memref<64xi32, #tpu.memory_space<vmem>>, vector<16xi32>,
    %swap3A_97 = vector.shape_cast %swap3A_96 : vector<16xi32> to vector<16xi32>
    %swap3A_98 = vector.shape_cast %add3A_94 : vector<16xi32> to vector<16xi32>
    tpu.vector_store %arg13[%swap3A_95], %swap3A_98 {strides = array<i32>} : memref<64xi32, #tpu.memory_space<vmem>>, vector<16xi32>,
    %and3A_99 = arith.constant 7 : i32
    %and3A_100 = vector.broadcast %and3A_99 : i32 to vector<16xi32>
    %and3A_101 = arith.andi %get3A_84, %and3A_100 : vector<16xi32>
    %swap3A_102 = arith.constant 32 : index
    %swap3A_103 = tpu.vector_load %arg15[%swap3A_102] {strides = array<i32>} : memref<64xi32, #tpu.memory_space<vmem>>, vector<16xi32>,
    %swap3A_104 = vector.shape_cast %swap3A_103 : vector<16xi32> to vector<16xi32>
    %swap3A_105 = vector.shape_cast %and3A_101 : vector<16xi32> to vector<16xi32>
    tpu.vector_store %arg15[%swap3A_102], %swap3A_105 {strides = array<i32>} : memref<64xi32, #tpu.memory_space<vmem>>, vector<16xi32>,
    %get3A_106 = arith.constant 112 : index
    %get3A_107 = tpu.vector_load %arg9[%get3A_106] {strides = array<i32>} : memref<128xi32, #tpu.memory_space<vmem>>, vector<16xi32>,
    %get3A_108 = vector.shape_cast %get3A_107 : vector<16xi32> to vector<16xi32>
    %swap3A_109 = arith.constant 48 : index
    %swap3A_110 = tpu.vector_load %arg11[%swap3A_109] {strides = array<i32>} : memref<64xi32, #tpu.memory_space<vmem>>, vector<16xi32>,
    %swap3A_111 = vector.shape_cast %swap3A_110 : vector<16xi32> to vector<16xi32>
    %swap3A_112 = vector.shape_cast %get3A_108 : vector<16xi32> to vector<16xi32>
    tpu.vector_store %arg11[%swap3A_109], %swap3A_112 {strides = array<i32>} : memref<64xi32, #tpu.memory_space<vmem>>, vector<16xi32>,
    %shift_right_arithmetic3A_113 = arith.constant 3 : i32
    %shift_right_arithmetic3A_114 = vector.broadcast %shift_right_arithmetic3A_113 : i32 to vector<16xi32>
    %shift_right_arithmetic3A_115 = arith.shrsi %get3A_108, %shift_right_arithmetic3A_114 : vector<16xi32>
    %add3A_116 = arith.constant 10240 : i32
    %add3A_117 = vector.broadcast %add3A_116 : i32 to vector<16xi32>
    %add3A_118 = arith.addi %shift_right_arithmetic3A_115, %add3A_117 : vector<16xi32>
    %swap3A_119 = arith.constant 48 : index
    %swap3A_120 = tpu.vector_load %arg13[%swap3A_119] {strides = array<i32>} : memref<64xi32, #tpu.memory_space<vmem>>, vector<16xi32>,
    %swap3A_121 = vector.shape_cast %swap3A_120 : vector<16xi32> to vector<16xi32>
    %swap3A_122 = vector.shape_cast %add3A_118 : vector<16xi32> to vector<16xi32>
    tpu.vector_store %arg13[%swap3A_119], %swap3A_122 {strides = array<i32>} : memref<64xi32, #tpu.memory_space<vmem>>, vector<16xi32>,
    %and3A_123 = arith.constant 7 : i32
    %and3A_124 = vector.broadcast %and3A_123 : i32 to vector<16xi32>
    %and3A_125 = arith.andi %get3A_108, %and3A_124 : vector<16xi32>
    %swap3A_126 = arith.constant 48 : index
    %swap3A_127 = tpu.vector_load %arg15[%swap3A_126] {strides = array<i32>} : memref<64xi32, #tpu.memory_space<vmem>>, vector<16xi32>,
    %swap3A_128 = vector.shape_cast %swap3A_127 : vector<16xi32> to vector<16xi32>
    %swap3A_129 = vector.shape_cast %and3A_125 : vector<16xi32> to vector<16xi32>
    tpu.vector_store %arg15[%swap3A_126], %swap3A_129 {strides = array<i32>} : memref<64xi32, #tpu.memory_space<vmem>>, vector<16xi32>,
    %dma_start3A_130 = arith.constant 0 : i32
    %dma_start3A_131 = tpu.memref_slice %arg9[%dma_start3A_130] : memref<128xi32, #tpu.memory_space<vmem>> -> memref<64xi32, #tpu.memory_space<vmem>>
    %dma_start3A_132 = arith.constant 0 : i32
    %dma_start3A_133 = arith.constant 0 : i32
    %dma_start3A_134 = tpu.memref_slice %arg2[%dma_start3A_132, %dma_start3A_133] : memref<10000x128xf32, #tpu.memory_space<hbm>> -> memref<10000x128xf32, #tpu.memory_space<hbm>>
    tpu.enqueue_indirect_dma source(%dma_start3A_134 : memref<10000x128xf32, #tpu.memory_space<hbm>>) target(%arg17 : memref<64x128xf32, #tpu.memory_space<vmem>>) offsets(%dma_start3A_131 : memref<64xi32, #tpu.memory_space<vmem>>) semaphore(%arg23 : memref<!tpu.dma_semaphore, #tpu.memory_space<semaphore_mem>>)
    %dma_start3A_135 = arith.constant 0 : i32
    %dma_start3A_136 = arith.constant 0 : i32
    %dma_start3A_137 = tpu.memref_slice %arg8[%dma_start3A_135, %dma_start3A_136] : memref<8x128xf32, #tpu.memory_space<vmem_shared>> -> memref<8x128xf32, #tpu.memory_space<vmem_shared>>
    tpu.enqueue_indirect_dma source(%dma_start3A_137 : memref<8x128xf32, #tpu.memory_space<vmem_shared>>) target(%arg19 : memref<64x128xf32, #tpu.memory_space<vmem>>) offsets(%arg15 : memref<64xi32, #tpu.memory_space<vmem>>) semaphore(%arg25 : memref<!tpu.dma_semaphore, #tpu.memory_space<semaphore_mem>>)
    %add3A_138 = arith.constant 2 : i32
    %add3A_139 = arith.addi %mul3A_13, %add3A_138 : i32
    %mul3A_140 = arith.constant 2 : i32
    %mul3A_141 = arith.muli %add3A_139, %mul3A_140 : i32
    %mul3A_142 = arith.constant 64 : i32
    %mul3A_143 = arith.muli %mul3A_141, %mul3A_142 : i32
    %multiple_of3A_144 = tpu.assume_multiple %mul3A_143, 8 : i32
    %dma_start3A_145 = tpu.memref_slice %arg3[%multiple_of3A_144] : memref<655360xi32, #tpu.memory_space<hbm>> -> memref<128xi32, #tpu.memory_space<hbm>>
    %dma_start3A_146 = tpu.memref_slice %arg3[%multiple_of3A_144] : memref<655360xi32, #tpu.memory_space<hbm>> -> memref<128xi32, #tpu.memory_space<hbm>>
    tpu.enqueue_dma source(%dma_start3A_146 : memref<128xi32, #tpu.memory_space<hbm>>) target(%arg9 : memref<128xi32, #tpu.memory_space<vmem>>) target_semaphore(%arg21 : memref<!tpu.dma_semaphore, #tpu.memory_space<semaphore_mem>>)
    %scan3A_147 = arith.constant 0 : i32
    %scan3A_148 = arith.constant 80 : i32
    %scan3A_149 = arith.addi %scan3A_147, %scan3A_148 : i32
    %scan3A_150 = arith.constant 1 : i32
    scf.for %scan3A_196 = %scan3A_147 to %scan3A_149 step %scan3A_150  : i32 {
      %mul3A_197 = arith.constant 1 : i32
      %mul3A_198 = arith.muli %scan3A_196, %mul3A_197 : i32
      %add3A_199 = arith.constant 0 : i32
      %add3A_200 = arith.addi %add3A_199, %mul3A_198 : i32
      %mul3A_201 = arith.constant 2 : i32
      %mul3A_202 = arith.muli %add3A_200, %mul3A_201 : i32
      %add3A_203 = arith.constant 0 : i32
      %add3A_204 = arith.addi %mul3A_202, %add3A_203 : i32
      %dma_wait3A_205 = arith.constant 0 : i32
      %dma_wait3A_206 = arith.constant 0 : i32
      %dma_wait3A_207 = tpu.memref_slice %arg2[%dma_wait3A_205, %dma_wait3A_206] : memref<10000x128xf32, #tpu.memory_space<hbm>> -> memref<10000x128xf32, #tpu.memory_space<hbm>>
      tpu.wait_indirect_dma semaphore(%arg23 : memref<!tpu.dma_semaphore, #tpu.memory_space<semaphore_mem>>) src(%dma_wait3A_207 : memref<10000x128xf32, #tpu.memory_space<hbm>>) dst(%arg17 : memref<64x128xf32, #tpu.memory_space<vmem>>)
      %dma_wait3A_208 = arith.constant 0 : i32
      %dma_wait3A_209 = arith.constant 0 : i32
      %dma_wait3A_210 = tpu.memref_slice %arg8[%dma_wait3A_208, %dma_wait3A_209] : memref<8x128xf32, #tpu.memory_space<vmem_shared>> -> memref<8x128xf32, #tpu.memory_space<vmem_shared>>
      tpu.wait_indirect_dma semaphore(%arg25 : memref<!tpu.dma_semaphore, #tpu.memory_space<semaphore_mem>>) src(%dma_wait3A_210 : memref<8x128xf32, #tpu.memory_space<vmem_shared>>) dst(%arg19 : memref<64x128xf32, #tpu.memory_space<vmem>>)
      %dma_start3A_211 = arith.constant 0 : i32
      %dma_start3A_212 = arith.constant 0 : i32
      %dma_start3A_213 = tpu.memref_slice %arg7[%dma_start3A_211, %dma_start3A_212] : memref<11520x128xf32, #tpu.memory_space<vmem_shared>> -> memref<11520x128xf32, #tpu.memory_space<vmem_shared>>
      tpu.enqueue_indirect_dma source(%arg17 : memref<64x128xf32, #tpu.memory_space<vmem>>) target(%dma_start3A_213 : memref<11520x128xf32, #tpu.memory_space<vmem_shared>>) offsets(%arg11 : memref<64xi32, #tpu.memory_space<vmem>>) semaphore(%arg27 : memref<!tpu.dma_semaphore, #tpu.memory_space<semaphore_mem>>) {add = true}
      %dma_start3A_214 = arith.constant 0 : i32
      %dma_start3A_215 = arith.constant 0 : i32
      %dma_start3A_216 = tpu.memref_slice %arg7[%dma_start3A_214, %dma_start3A_215] : memref<11520x128xf32, #tpu.memory_space<vmem_shared>> -> memref<11520x128xf32, #tpu.memory_space<vmem_shared>>
      tpu.enqueue_indirect_dma source(%arg19 : memref<64x128xf32, #tpu.memory_space<vmem>>) target(%dma_start3A_216 : memref<11520x128xf32, #tpu.memory_space<vmem_shared>>) offsets(%arg13 : memref<64xi32, #tpu.memory_space<vmem>>) semaphore(%arg29 : memref<!tpu.dma_semaphore, #tpu.memory_space<semaphore_mem>>) {add = true}
      %gt3A = arith.constant 0 : i32
      %gt3A_217 = arith.cmpi sgt, %add3A_200, %gt3A : i32
      %convert_element_type3A_218 = arith.extui %gt3A_217 : i1 to i32
      %cond3A_219 = arith.constant 0 : i32
      %cond3A_220 = arith.cmpi ne, %convert_element_type3A_218, %cond3A_219 : i32
      scf.if %cond3A_220 {
        %dma_wait3A_270 = arith.constant 0 : i32
        %dma_wait3A_271 = arith.constant 0 : i32
        %dma_wait3A_272 = tpu.memref_slice %arg7[%dma_wait3A_270, %dma_wait3A_271] : memref<11520x128xf32, #tpu.memory_space<vmem_shared>> -> memref<11520x128xf32, #tpu.memory_space<vmem_shared>>
        tpu.wait_indirect_dma semaphore(%arg28 : memref<!tpu.dma_semaphore, #tpu.memory_space<semaphore_mem>>) src(%arg18 : memref<64x128xf32, #tpu.memory_space<vmem>>) dst(%dma_wait3A_272 : memref<11520x128xf32, #tpu.memory_space<vmem_shared>>)
        %dma_wait3A_273 = arith.constant 0 : i32
        %dma_wait3A_274 = arith.constant 0 : i32
        %dma_wait3A_275 = tpu.memref_slice %arg7[%dma_wait3A_273, %dma_wait3A_274] : memref<11520x128xf32, #tpu.memory_space<vmem_shared>> -> memref<11520x128xf32, #tpu.memory_space<vmem_shared>>
        tpu.wait_indirect_dma semaphore(%arg30 : memref<!tpu.dma_semaphore, #tpu.memory_space<semaphore_mem>>) src(%arg20 : memref<64x128xf32, #tpu.memory_space<vmem>>) dst(%dma_wait3A_275 : memref<11520x128xf32, #tpu.memory_space<vmem_shared>>)
      } else {
      }
      %add3A_221 = arith.constant 1 : i32
      %add3A_222 = arith.addi %add3A_204, %add3A_221 : i32
      %lt3A = arith.constant 160 : i32
      %lt3A_223 = arith.cmpi slt, %add3A_222, %lt3A : i32
      %convert_element_type3A_224 = arith.extui %lt3A_223 : i1 to i32
      %cond3A_225 = arith.constant 0 : i32
      %cond3A_226 = arith.cmpi ne, %convert_element_type3A_224, %cond3A_225 : i32
      scf.if %cond3A_226 {
        %add3A_270 = arith.constant 1 : i32
        %add3A_271 = arith.addi %add3A_204, %add3A_270 : i32
        %add3A_272 = arith.addi %mul3A_13, %add3A_271 : i32
        %mul3A_273 = arith.constant 2 : i32
        %mul3A_274 = arith.muli %add3A_272, %mul3A_273 : i32
        %mul3A_275 = arith.constant 64 : i32
        %mul3A_276 = arith.muli %mul3A_274, %mul3A_275 : i32
        %multiple_of3A_277 = tpu.assume_multiple %mul3A_276, 8 : i32
        %dma_wait3A_278 = tpu.memref_slice %arg3[%multiple_of3A_277] : memref<655360xi32, #tpu.memory_space<hbm>> -> memref<128xi32, #tpu.memory_space<hbm>>
        %dma_wait3A_279 = tpu.memref_slice %arg3[%multiple_of3A_277] : memref<655360xi32, #tpu.memory_space<hbm>> -> memref<128xi32, #tpu.memory_space<hbm>>
        tpu.wait_dma2 semaphore(%arg22 : memref<!tpu.dma_semaphore, #tpu.memory_space<semaphore_mem>>) src(%dma_wait3A_279 : memref<128xi32, #tpu.memory_space<hbm>>) dst(%arg10 : memref<128xi32, #tpu.memory_space<vmem>>)
        %get3A_280 = arith.constant 64 : index
        %get3A_281 = tpu.vector_load %arg10[%get3A_280] {strides = array<i32>} : memref<128xi32, #tpu.memory_space<vmem>>, vector<16xi32>,
        %get3A_282 = vector.shape_cast %get3A_281 : vector<16xi32> to vector<16xi32>
        %swap3A_283 = arith.constant 0 : index
        %swap3A_284 = tpu.vector_load %arg12[%swap3A_283] {strides = array<i32>} : memref<64xi32, #tpu.memory_space<vmem>>, vector<16xi32>,
        %swap3A_285 = vector.shape_cast %swap3A_284 : vector<16xi32> to vector<16xi32>
        %swap3A_286 = vector.shape_cast %get3A_282 : vector<16xi32> to vector<16xi32>
        tpu.vector_store %arg12[%swap3A_283], %swap3A_286 {strides = array<i32>} : memref<64xi32, #tpu.memory_space<vmem>>, vector<16xi32>,
        %shift_right_arithmetic3A_287 = arith.constant 3 : i32
        %shift_right_arithmetic3A_288 = vector.broadcast %shift_right_arithmetic3A_287 : i32 to vector<16xi32>
        %shift_right_arithmetic3A_289 = arith.shrsi %get3A_282, %shift_right_arithmetic3A_288 : vector<16xi32>
        %add3A_290 = arith.constant 10240 : i32
        %add3A_291 = vector.broadcast %add3A_290 : i32 to vector<16xi32>
        %add3A_292 = arith.addi %shift_right_arithmetic3A_289, %add3A_291 : vector<16xi32>
        %swap3A_293 = arith.constant 0 : index
        %swap3A_294 = tpu.vector_load %arg14[%swap3A_293] {strides = array<i32>} : memref<64xi32, #tpu.memory_space<vmem>>, vector<16xi32>,
        %swap3A_295 = vector.shape_cast %swap3A_294 : vector<16xi32> to vector<16xi32>
        %swap3A_296 = vector.shape_cast %add3A_292 : vector<16xi32> to vector<16xi32>
        tpu.vector_store %arg14[%swap3A_293], %swap3A_296 {strides = array<i32>} : memref<64xi32, #tpu.memory_space<vmem>>, vector<16xi32>,
        %and3A_297 = arith.constant 7 : i32
        %and3A_298 = vector.broadcast %and3A_297 : i32 to vector<16xi32>
        %and3A_299 = arith.andi %get3A_282, %and3A_298 : vector<16xi32>
        %swap3A_300 = arith.constant 0 : index
        %swap3A_301 = tpu.vector_load %arg16[%swap3A_300] {strides = array<i32>} : memref<64xi32, #tpu.memory_space<vmem>>, vector<16xi32>,
        %swap3A_302 = vector.shape_cast %swap3A_301 : vector<16xi32> to vector<16xi32>
        %swap3A_303 = vector.shape_cast %and3A_299 : vector<16xi32> to vector<16xi32>
        tpu.vector_store %arg16[%swap3A_300], %swap3A_303 {strides = array<i32>} : memref<64xi32, #tpu.memory_space<vmem>>, vector<16xi32>,
        %get3A_304 = arith.constant 80 : index
        %get3A_305 = tpu.vector_load %arg10[%get3A_304] {strides = array<i32>} : memref<128xi32, #tpu.memory_space<vmem>>, vector<16xi32>,
        %get3A_306 = vector.shape_cast %get3A_305 : vector<16xi32> to vector<16xi32>
        %swap3A_307 = arith.constant 16 : index
        %swap3A_308 = tpu.vector_load %arg12[%swap3A_307] {strides = array<i32>} : memref<64xi32, #tpu.memory_space<vmem>>, vector<16xi32>,
        %swap3A_309 = vector.shape_cast %swap3A_308 : vector<16xi32> to vector<16xi32>
        %swap3A_310 = vector.shape_cast %get3A_306 : vector<16xi32> to vector<16xi32>
        tpu.vector_store %arg12[%swap3A_307], %swap3A_310 {strides = array<i32>} : memref<64xi32, #tpu.memory_space<vmem>>, vector<16xi32>,
        %shift_right_arithmetic3A_311 = arith.constant 3 : i32
        %shift_right_arithmetic3A_312 = vector.broadcast %shift_right_arithmetic3A_311 : i32 to vector<16xi32>
        %shift_right_arithmetic3A_313 = arith.shrsi %get3A_306, %shift_right_arithmetic3A_312 : vector<16xi32>
        %add3A_314 = arith.constant 10240 : i32
        %add3A_315 = vector.broadcast %add3A_314 : i32 to vector<16xi32>
        %add3A_316 = arith.addi %shift_right_arithmetic3A_313, %add3A_315 : vector<16xi32>
        %swap3A_317 = arith.constant 16 : index
        %swap3A_318 = tpu.vector_load %arg14[%swap3A_317] {strides = array<i32>} : memref<64xi32, #tpu.memory_space<vmem>>, vector<16xi32>,
        %swap3A_319 = vector.shape_cast %swap3A_318 : vector<16xi32> to vector<16xi32>
        %swap3A_320 = vector.shape_cast %add3A_316 : vector<16xi32> to vector<16xi32>
        tpu.vector_store %arg14[%swap3A_317], %swap3A_320 {strides = array<i32>} : memref<64xi32, #tpu.memory_space<vmem>>, vector<16xi32>,
        %and3A_321 = arith.constant 7 : i32
        %and3A_322 = vector.broadcast %and3A_321 : i32 to vector<16xi32>
        %and3A_323 = arith.andi %get3A_306, %and3A_322 : vector<16xi32>
        %swap3A_324 = arith.constant 16 : index
        %swap3A_325 = tpu.vector_load %arg16[%swap3A_324] {strides = array<i32>} : memref<64xi32, #tpu.memory_space<vmem>>, vector<16xi32>,
        %swap3A_326 = vector.shape_cast %swap3A_325 : vector<16xi32> to vector<16xi32>
        %swap3A_327 = vector.shape_cast %and3A_323 : vector<16xi32> to vector<16xi32>
        tpu.vector_store %arg16[%swap3A_324], %swap3A_327 {strides = array<i32>} : memref<64xi32, #tpu.memory_space<vmem>>, vector<16xi32>,
        %get3A_328 = arith.constant 96 : index
        %get3A_329 = tpu.vector_load %arg10[%get3A_328] {strides = array<i32>} : memref<128xi32, #tpu.memory_space<vmem>>, vector<16xi32>,
        %get3A_330 = vector.shape_cast %get3A_329 : vector<16xi32> to vector<16xi32>
        %swap3A_331 = arith.constant 32 : index
        %swap3A_332 = tpu.vector_load %arg12[%swap3A_331] {strides = array<i32>} : memref<64xi32, #tpu.memory_space<vmem>>, vector<16xi32>,
        %swap3A_333 = vector.shape_cast %swap3A_332 : vector<16xi32> to vector<16xi32>
        %swap3A_334 = vector.shape_cast %get3A_330 : vector<16xi32> to vector<16xi32>
        tpu.vector_store %arg12[%swap3A_331], %swap3A_334 {strides = array<i32>} : memref<64xi32, #tpu.memory_space<vmem>>, vector<16xi32>,
        %shift_right_arithmetic3A_335 = arith.constant 3 : i32
        %shift_right_arithmetic3A_336 = vector.broadcast %shift_right_arithmetic3A_335 : i32 to vector<16xi32>
        %shift_right_arithmetic3A_337 = arith.shrsi %get3A_330, %shift_right_arithmetic3A_336 : vector<16xi32>
        %add3A_338 = arith.constant 10240 : i32
        %add3A_339 = vector.broadcast %add3A_338 : i32 to vector<16xi32>
        %add3A_340 = arith.addi %shift_right_arithmetic3A_337, %add3A_339 : vector<16xi32>
        %swap3A_341 = arith.constant 32 : index
        %swap3A_342 = tpu.vector_load %arg14[%swap3A_341] {strides = array<i32>} : memref<64xi32, #tpu.memory_space<vmem>>, vector<16xi32>,
        %swap3A_343 = vector.shape_cast %swap3A_342 : vector<16xi32> to vector<16xi32>
        %swap3A_344 = vector.shape_cast %add3A_340 : vector<16xi32> to vector<16xi32>
        tpu.vector_store %arg14[%swap3A_341], %swap3A_344 {strides = array<i32>} : memref<64xi32, #tpu.memory_space<vmem>>, vector<16xi32>,
        %and3A_345 = arith.constant 7 : i32
        %and3A_346 = vector.broadcast %and3A_345 : i32 to vector<16xi32>
        %and3A_347 = arith.andi %get3A_330, %and3A_346 : vector<16xi32>
        %swap3A_348 = arith.constant 32 : index
        %swap3A_349 = tpu.vector_load %arg16[%swap3A_348] {strides = array<i32>} : memref<64xi32, #tpu.memory_space<vmem>>, vector<16xi32>,
        %swap3A_350 = vector.shape_cast %swap3A_349 : vector<16xi32> to vector<16xi32>
        %swap3A_351 = vector.shape_cast %and3A_347 : vector<16xi32> to vector<16xi32>
        tpu.vector_store %arg16[%swap3A_348], %swap3A_351 {strides = array<i32>} : memref<64xi32, #tpu.memory_space<vmem>>, vector<16xi32>,
        %get3A_352 = arith.constant 112 : index
        %get3A_353 = tpu.vector_load %arg10[%get3A_352] {strides = array<i32>} : memref<128xi32, #tpu.memory_space<vmem>>, vector<16xi32>,
        %get3A_354 = vector.shape_cast %get3A_353 : vector<16xi32> to vector<16xi32>
        %swap3A_355 = arith.constant 48 : index
        %swap3A_356 = tpu.vector_load %arg12[%swap3A_355] {strides = array<i32>} : memref<64xi32, #tpu.memory_space<vmem>>, vector<16xi32>,
        %swap3A_357 = vector.shape_cast %swap3A_356 : vector<16xi32> to vector<16xi32>
        %swap3A_358 = vector.shape_cast %get3A_354 : vector<16xi32> to vector<16xi32>
        tpu.vector_store %arg12[%swap3A_355], %swap3A_358 {strides = array<i32>} : memref<64xi32, #tpu.memory_space<vmem>>, vector<16xi32>,
        %shift_right_arithmetic3A_359 = arith.constant 3 : i32
        %shift_right_arithmetic3A_360 = vector.broadcast %shift_right_arithmetic3A_359 : i32 to vector<16xi32>
        %shift_right_arithmetic3A_361 = arith.shrsi %get3A_354, %shift_right_arithmetic3A_360 : vector<16xi32>
        %add3A_362 = arith.constant 10240 : i32
        %add3A_363 = vector.broadcast %add3A_362 : i32 to vector<16xi32>
        %add3A_364 = arith.addi %shift_right_arithmetic3A_361, %add3A_363 : vector<16xi32>
        %swap3A_365 = arith.constant 48 : index
        %swap3A_366 = tpu.vector_load %arg14[%swap3A_365] {strides = array<i32>} : memref<64xi32, #tpu.memory_space<vmem>>, vector<16xi32>,
        %swap3A_367 = vector.shape_cast %swap3A_366 : vector<16xi32> to vector<16xi32>
        %swap3A_368 = vector.shape_cast %add3A_364 : vector<16xi32> to vector<16xi32>
        tpu.vector_store %arg14[%swap3A_365], %swap3A_368 {strides = array<i32>} : memref<64xi32, #tpu.memory_space<vmem>>, vector<16xi32>,
        %and3A_369 = arith.constant 7 : i32
        %and3A_370 = vector.broadcast %and3A_369 : i32 to vector<16xi32>
        %and3A_371 = arith.andi %get3A_354, %and3A_370 : vector<16xi32>
        %swap3A_372 = arith.constant 48 : index
        %swap3A_373 = tpu.vector_load %arg16[%swap3A_372] {strides = array<i32>} : memref<64xi32, #tpu.memory_space<vmem>>, vector<16xi32>,
        %swap3A_374 = vector.shape_cast %swap3A_373 : vector<16xi32> to vector<16xi32>
        %swap3A_375 = vector.shape_cast %and3A_371 : vector<16xi32> to vector<16xi32>
        tpu.vector_store %arg16[%swap3A_372], %swap3A_375 {strides = array<i32>} : memref<64xi32, #tpu.memory_space<vmem>>, vector<16xi32>,
        %dma_start3A_376 = arith.constant 0 : i32
        %dma_start3A_377 = tpu.memref_slice %arg10[%dma_start3A_376] : memref<128xi32, #tpu.memory_space<vmem>> -> memref<64xi32, #tpu.memory_space<vmem>>
        %dma_start3A_378 = arith.constant 0 : i32
        %dma_start3A_379 = arith.constant 0 : i32
        %dma_start3A_380 = tpu.memref_slice %arg2[%dma_start3A_378, %dma_start3A_379] : memref<10000x128xf32, #tpu.memory_space<hbm>> -> memref<10000x128xf32, #tpu.memory_space<hbm>>
        tpu.enqueue_indirect_dma source(%dma_start3A_380 : memref<10000x128xf32, #tpu.memory_space<hbm>>) target(%arg18 : memref<64x128xf32, #tpu.memory_space<vmem>>) offsets(%dma_start3A_377 : memref<64xi32, #tpu.memory_space<vmem>>) semaphore(%arg24 : memref<!tpu.dma_semaphore, #tpu.memory_space<semaphore_mem>>)
        %dma_start3A_381 = arith.constant 0 : i32
        %dma_start3A_382 = arith.constant 0 : i32
        %dma_start3A_383 = tpu.memref_slice %arg8[%dma_start3A_381, %dma_start3A_382] : memref<8x128xf32, #tpu.memory_space<vmem_shared>> -> memref<8x128xf32, #tpu.memory_space<vmem_shared>>
        tpu.enqueue_indirect_dma source(%dma_start3A_383 : memref<8x128xf32, #tpu.memory_space<vmem_shared>>) target(%arg20 : memref<64x128xf32, #tpu.memory_space<vmem>>) offsets(%arg16 : memref<64xi32, #tpu.memory_space<vmem>>) semaphore(%arg26 : memref<!tpu.dma_semaphore, #tpu.memory_space<semaphore_mem>>)
      } else {
      }
      %add3A_227 = arith.constant 3 : i32
      %add3A_228 = arith.addi %add3A_204, %add3A_227 : i32
      %lt3A_229 = arith.constant 160 : i32
      %lt3A_230 = arith.cmpi slt, %add3A_228, %lt3A_229 : i32
      %convert_element_type3A_231 = arith.extui %lt3A_230 : i1 to i32
      %cond3A_232 = arith.constant 0 : i32
      %cond3A_233 = arith.cmpi ne, %convert_element_type3A_231, %cond3A_232 : i32
      scf.if %cond3A_233 {
        %add3A_270 = arith.constant 3 : i32
        %add3A_271 = arith.addi %add3A_204, %add3A_270 : i32
        %add3A_272 = arith.addi %mul3A_13, %add3A_271 : i32
        %mul3A_273 = arith.constant 2 : i32
        %mul3A_274 = arith.muli %add3A_272, %mul3A_273 : i32
        %mul3A_275 = arith.constant 64 : i32
        %mul3A_276 = arith.muli %mul3A_274, %mul3A_275 : i32
        %multiple_of3A_277 = tpu.assume_multiple %mul3A_276, 8 : i32
        %dma_start3A_278 = tpu.memref_slice %arg3[%multiple_of3A_277] : memref<655360xi32, #tpu.memory_space<hbm>> -> memref<128xi32, #tpu.memory_space<hbm>>
        %dma_start3A_279 = tpu.memref_slice %arg3[%multiple_of3A_277] : memref<655360xi32, #tpu.memory_space<hbm>> -> memref<128xi32, #tpu.memory_space<hbm>>
        tpu.enqueue_dma source(%dma_start3A_279 : memref<128xi32, #tpu.memory_space<hbm>>) target(%arg10 : memref<128xi32, #tpu.memory_space<vmem>>) target_semaphore(%arg22 : memref<!tpu.dma_semaphore, #tpu.memory_space<semaphore_mem>>)
      } else {
      }
      %mul3A_234 = arith.constant 2 : i32
      %mul3A_235 = arith.muli %add3A_200, %mul3A_234 : i32
      %add3A_236 = arith.constant 1 : i32
      %add3A_237 = arith.addi %mul3A_235, %add3A_236 : i32
      %dma_wait3A_238 = arith.constant 0 : i32
      %dma_wait3A_239 = arith.constant 0 : i32
      %dma_wait3A_240 = tpu.memref_slice %arg2[%dma_wait3A_238, %dma_wait3A_239] : memref<10000x128xf32, #tpu.memory_space<hbm>> -> memref<10000x128xf32, #tpu.memory_space<hbm>>
      tpu.wait_indirect_dma semaphore(%arg24 : memref<!tpu.dma_semaphore, #tpu.memory_space<semaphore_mem>>) src(%dma_wait3A_240 : memref<10000x128xf32, #tpu.memory_space<hbm>>) dst(%arg18 : memref<64x128xf32, #tpu.memory_space<vmem>>)
      %dma_wait3A_241 = arith.constant 0 : i32
      %dma_wait3A_242 = arith.constant 0 : i32
      %dma_wait3A_243 = tpu.memref_slice %arg8[%dma_wait3A_241, %dma_wait3A_242] : memref<8x128xf32, #tpu.memory_space<vmem_shared>> -> memref<8x128xf32, #tpu.memory_space<vmem_shared>>
      tpu.wait_indirect_dma semaphore(%arg26 : memref<!tpu.dma_semaphore, #tpu.memory_space<semaphore_mem>>) src(%dma_wait3A_243 : memref<8x128xf32, #tpu.memory_space<vmem_shared>>) dst(%arg20 : memref<64x128xf32, #tpu.memory_space<vmem>>)
      %dma_start3A_244 = arith.constant 0 : i32
      %dma_start3A_245 = arith.constant 0 : i32
      %dma_start3A_246 = tpu.memref_slice %arg7[%dma_start3A_244, %dma_start3A_245] : memref<11520x128xf32, #tpu.memory_space<vmem_shared>> -> memref<11520x128xf32, #tpu.memory_space<vmem_shared>>
      tpu.enqueue_indirect_dma source(%arg18 : memref<64x128xf32, #tpu.memory_space<vmem>>) target(%dma_start3A_246 : memref<11520x128xf32, #tpu.memory_space<vmem_shared>>) offsets(%arg12 : memref<64xi32, #tpu.memory_space<vmem>>) semaphore(%arg28 : memref<!tpu.dma_semaphore, #tpu.memory_space<semaphore_mem>>) {add = true}
      %dma_start3A_247 = arith.constant 0 : i32
      %dma_start3A_248 = arith.constant 0 : i32
      %dma_start3A_249 = tpu.memref_slice %arg7[%dma_start3A_247, %dma_start3A_248] : memref<11520x128xf32, #tpu.memory_space<vmem_shared>> -> memref<11520x128xf32, #tpu.memory_space<vmem_shared>>
      tpu.enqueue_indirect_dma source(%arg20 : memref<64x128xf32, #tpu.memory_space<vmem>>) target(%dma_start3A_249 : memref<11520x128xf32, #tpu.memory_space<vmem_shared>>) offsets(%arg14 : memref<64xi32, #tpu.memory_space<vmem>>) semaphore(%arg30 : memref<!tpu.dma_semaphore, #tpu.memory_space<semaphore_mem>>) {add = true}
      %dma_wait3A_250 = arith.constant 0 : i32
      %dma_wait3A_251 = arith.constant 0 : i32
      %dma_wait3A_252 = tpu.memref_slice %arg7[%dma_wait3A_250, %dma_wait3A_251] : memref<11520x128xf32, #tpu.memory_space<vmem_shared>> -> memref<11520x128xf32, #tpu.memory_space<vmem_shared>>
      tpu.wait_indirect_dma semaphore(%arg27 : memref<!tpu.dma_semaphore, #tpu.memory_space<semaphore_mem>>) src(%arg17 : memref<64x128xf32, #tpu.memory_space<vmem>>) dst(%dma_wait3A_252 : memref<11520x128xf32, #tpu.memory_space<vmem_shared>>)
      %dma_wait3A_253 = arith.constant 0 : i32
      %dma_wait3A_254 = arith.constant 0 : i32
      %dma_wait3A_255 = tpu.memref_slice %arg7[%dma_wait3A_253, %dma_wait3A_254] : memref<11520x128xf32, #tpu.memory_space<vmem_shared>> -> memref<11520x128xf32, #tpu.memory_space<vmem_shared>>
      tpu.wait_indirect_dma semaphore(%arg29 : memref<!tpu.dma_semaphore, #tpu.memory_space<semaphore_mem>>) src(%arg19 : memref<64x128xf32, #tpu.memory_space<vmem>>) dst(%dma_wait3A_255 : memref<11520x128xf32, #tpu.memory_space<vmem_shared>>)
      %add3A_256 = arith.constant 1 : i32
      %add3A_257 = arith.addi %add3A_237, %add3A_256 : i32
      %lt3A_258 = arith.constant 160 : i32
      %lt3A_259 = arith.cmpi slt, %add3A_257, %lt3A_258 : i32
      %convert_element_type3A_260 = arith.extui %lt3A_259 : i1 to i32
      %cond3A_261 = arith.constant 0 : i32
      %cond3A_262 = arith.cmpi ne, %convert_element_type3A_260, %cond3A_261 : i32
      scf.if %cond3A_262 {
        %add3A_270 = arith.constant 1 : i32
        %add3A_271 = arith.addi %add3A_237, %add3A_270 : i32
        %add3A_272 = arith.addi %mul3A_13, %add3A_271 : i32
        %mul3A_273 = arith.constant 2 : i32
        %mul3A_274 = arith.muli %add3A_272, %mul3A_273 : i32
        %mul3A_275 = arith.constant 64 : i32
        %mul3A_276 = arith.muli %mul3A_274, %mul3A_275 : i32
        %multiple_of3A_277 = tpu.assume_multiple %mul3A_276, 8 : i32
        %dma_wait3A_278 = tpu.memref_slice %arg3[%multiple_of3A_277] : memref<655360xi32, #tpu.memory_space<hbm>> -> memref<128xi32, #tpu.memory_space<hbm>>
        %dma_wait3A_279 = tpu.memref_slice %arg3[%multiple_of3A_277] : memref<655360xi32, #tpu.memory_space<hbm>> -> memref<128xi32, #tpu.memory_space<hbm>>
        tpu.wait_dma2 semaphore(%arg21 : memref<!tpu.dma_semaphore, #tpu.memory_space<semaphore_mem>>) src(%dma_wait3A_279 : memref<128xi32, #tpu.memory_space<hbm>>) dst(%arg9 : memref<128xi32, #tpu.memory_space<vmem>>)
        %get3A_280 = arith.constant 64 : index
        %get3A_281 = tpu.vector_load %arg9[%get3A_280] {strides = array<i32>} : memref<128xi32, #tpu.memory_space<vmem>>, vector<16xi32>,
        %get3A_282 = vector.shape_cast %get3A_281 : vector<16xi32> to vector<16xi32>
        %swap3A_283 = arith.constant 0 : index
        %swap3A_284 = tpu.vector_load %arg11[%swap3A_283] {strides = array<i32>} : memref<64xi32, #tpu.memory_space<vmem>>, vector<16xi32>,
        %swap3A_285 = vector.shape_cast %swap3A_284 : vector<16xi32> to vector<16xi32>
        %swap3A_286 = vector.shape_cast %get3A_282 : vector<16xi32> to vector<16xi32>
        tpu.vector_store %arg11[%swap3A_283], %swap3A_286 {strides = array<i32>} : memref<64xi32, #tpu.memory_space<vmem>>, vector<16xi32>,
        %shift_right_arithmetic3A_287 = arith.constant 3 : i32
        %shift_right_arithmetic3A_288 = vector.broadcast %shift_right_arithmetic3A_287 : i32 to vector<16xi32>
        %shift_right_arithmetic3A_289 = arith.shrsi %get3A_282, %shift_right_arithmetic3A_288 : vector<16xi32>
        %add3A_290 = arith.constant 10240 : i32
        %add3A_291 = vector.broadcast %add3A_290 : i32 to vector<16xi32>
        %add3A_292 = arith.addi %shift_right_arithmetic3A_289, %add3A_291 : vector<16xi32>
        %swap3A_293 = arith.constant 0 : index
        %swap3A_294 = tpu.vector_load %arg13[%swap3A_293] {strides = array<i32>} : memref<64xi32, #tpu.memory_space<vmem>>, vector<16xi32>,
        %swap3A_295 = vector.shape_cast %swap3A_294 : vector<16xi32> to vector<16xi32>
        %swap3A_296 = vector.shape_cast %add3A_292 : vector<16xi32> to vector<16xi32>
        tpu.vector_store %arg13[%swap3A_293], %swap3A_296 {strides = array<i32>} : memref<64xi32, #tpu.memory_space<vmem>>, vector<16xi32>,
        %and3A_297 = arith.constant 7 : i32
        %and3A_298 = vector.broadcast %and3A_297 : i32 to vector<16xi32>
        %and3A_299 = arith.andi %get3A_282, %and3A_298 : vector<16xi32>
        %swap3A_300 = arith.constant 0 : index
        %swap3A_301 = tpu.vector_load %arg15[%swap3A_300] {strides = array<i32>} : memref<64xi32, #tpu.memory_space<vmem>>, vector<16xi32>,
        %swap3A_302 = vector.shape_cast %swap3A_301 : vector<16xi32> to vector<16xi32>
        %swap3A_303 = vector.shape_cast %and3A_299 : vector<16xi32> to vector<16xi32>
        tpu.vector_store %arg15[%swap3A_300], %swap3A_303 {strides = array<i32>} : memref<64xi32, #tpu.memory_space<vmem>>, vector<16xi32>,
        %get3A_304 = arith.constant 80 : index
        %get3A_305 = tpu.vector_load %arg9[%get3A_304] {strides = array<i32>} : memref<128xi32, #tpu.memory_space<vmem>>, vector<16xi32>,
        %get3A_306 = vector.shape_cast %get3A_305 : vector<16xi32> to vector<16xi32>
        %swap3A_307 = arith.constant 16 : index
        %swap3A_308 = tpu.vector_load %arg11[%swap3A_307] {strides = array<i32>} : memref<64xi32, #tpu.memory_space<vmem>>, vector<16xi32>,
        %swap3A_309 = vector.shape_cast %swap3A_308 : vector<16xi32> to vector<16xi32>
        %swap3A_310 = vector.shape_cast %get3A_306 : vector<16xi32> to vector<16xi32>
        tpu.vector_store %arg11[%swap3A_307], %swap3A_310 {strides = array<i32>} : memref<64xi32, #tpu.memory_space<vmem>>, vector<16xi32>,
        %shift_right_arithmetic3A_311 = arith.constant 3 : i32
        %shift_right_arithmetic3A_312 = vector.broadcast %shift_right_arithmetic3A_311 : i32 to vector<16xi32>
        %shift_right_arithmetic3A_313 = arith.shrsi %get3A_306, %shift_right_arithmetic3A_312 : vector<16xi32>
        %add3A_314 = arith.constant 10240 : i32
        %add3A_315 = vector.broadcast %add3A_314 : i32 to vector<16xi32>
        %add3A_316 = arith.addi %shift_right_arithmetic3A_313, %add3A_315 : vector<16xi32>
        %swap3A_317 = arith.constant 16 : index
        %swap3A_318 = tpu.vector_load %arg13[%swap3A_317] {strides = array<i32>} : memref<64xi32, #tpu.memory_space<vmem>>, vector<16xi32>,
        %swap3A_319 = vector.shape_cast %swap3A_318 : vector<16xi32> to vector<16xi32>
        %swap3A_320 = vector.shape_cast %add3A_316 : vector<16xi32> to vector<16xi32>
        tpu.vector_store %arg13[%swap3A_317], %swap3A_320 {strides = array<i32>} : memref<64xi32, #tpu.memory_space<vmem>>, vector<16xi32>,
        %and3A_321 = arith.constant 7 : i32
        %and3A_322 = vector.broadcast %and3A_321 : i32 to vector<16xi32>
        %and3A_323 = arith.andi %get3A_306, %and3A_322 : vector<16xi32>
        %swap3A_324 = arith.constant 16 : index
        %swap3A_325 = tpu.vector_load %arg15[%swap3A_324] {strides = array<i32>} : memref<64xi32, #tpu.memory_space<vmem>>, vector<16xi32>,
        %swap3A_326 = vector.shape_cast %swap3A_325 : vector<16xi32> to vector<16xi32>
        %swap3A_327 = vector.shape_cast %and3A_323 : vector<16xi32> to vector<16xi32>
        tpu.vector_store %arg15[%swap3A_324], %swap3A_327 {strides = array<i32>} : memref<64xi32, #tpu.memory_space<vmem>>, vector<16xi32>,
        %get3A_328 = arith.constant 96 : index
        %get3A_329 = tpu.vector_load %arg9[%get3A_328] {strides = array<i32>} : memref<128xi32, #tpu.memory_space<vmem>>, vector<16xi32>,
        %get3A_330 = vector.shape_cast %get3A_329 : vector<16xi32> to vector<16xi32>
        %swap3A_331 = arith.constant 32 : index
        %swap3A_332 = tpu.vector_load %arg11[%swap3A_331] {strides = array<i32>} : memref<64xi32, #tpu.memory_space<vmem>>, vector<16xi32>,
        %swap3A_333 = vector.shape_cast %swap3A_332 : vector<16xi32> to vector<16xi32>
        %swap3A_334 = vector.shape_cast %get3A_330 : vector<16xi32> to vector<16xi32>
        tpu.vector_store %arg11[%swap3A_331], %swap3A_334 {strides = array<i32>} : memref<64xi32, #tpu.memory_space<vmem>>, vector<16xi32>,
        %shift_right_arithmetic3A_335 = arith.constant 3 : i32
        %shift_right_arithmetic3A_336 = vector.broadcast %shift_right_arithmetic3A_335 : i32 to vector<16xi32>
        %shift_right_arithmetic3A_337 = arith.shrsi %get3A_330, %shift_right_arithmetic3A_336 : vector<16xi32>
        %add3A_338 = arith.constant 10240 : i32
        %add3A_339 = vector.broadcast %add3A_338 : i32 to vector<16xi32>
        %add3A_340 = arith.addi %shift_right_arithmetic3A_337, %add3A_339 : vector<16xi32>
        %swap3A_341 = arith.constant 32 : index
        %swap3A_342 = tpu.vector_load %arg13[%swap3A_341] {strides = array<i32>} : memref<64xi32, #tpu.memory_space<vmem>>, vector<16xi32>,
        %swap3A_343 = vector.shape_cast %swap3A_342 : vector<16xi32> to vector<16xi32>
        %swap3A_344 = vector.shape_cast %add3A_340 : vector<16xi32> to vector<16xi32>
        tpu.vector_store %arg13[%swap3A_341], %swap3A_344 {strides = array<i32>} : memref<64xi32, #tpu.memory_space<vmem>>, vector<16xi32>,
        %and3A_345 = arith.constant 7 : i32
        %and3A_346 = vector.broadcast %and3A_345 : i32 to vector<16xi32>
        %and3A_347 = arith.andi %get3A_330, %and3A_346 : vector<16xi32>
        %swap3A_348 = arith.constant 32 : index
        %swap3A_349 = tpu.vector_load %arg15[%swap3A_348] {strides = array<i32>} : memref<64xi32, #tpu.memory_space<vmem>>, vector<16xi32>,
        %swap3A_350 = vector.shape_cast %swap3A_349 : vector<16xi32> to vector<16xi32>
        %swap3A_351 = vector.shape_cast %and3A_347 : vector<16xi32> to vector<16xi32>
        tpu.vector_store %arg15[%swap3A_348], %swap3A_351 {strides = array<i32>} : memref<64xi32, #tpu.memory_space<vmem>>, vector<16xi32>,
        %get3A_352 = arith.constant 112 : index
        %get3A_353 = tpu.vector_load %arg9[%get3A_352] {strides = array<i32>} : memref<128xi32, #tpu.memory_space<vmem>>, vector<16xi32>,
        %get3A_354 = vector.shape_cast %get3A_353 : vector<16xi32> to vector<16xi32>
        %swap3A_355 = arith.constant 48 : index
        %swap3A_356 = tpu.vector_load %arg11[%swap3A_355] {strides = array<i32>} : memref<64xi32, #tpu.memory_space<vmem>>, vector<16xi32>,
        %swap3A_357 = vector.shape_cast %swap3A_356 : vector<16xi32> to vector<16xi32>
        %swap3A_358 = vector.shape_cast %get3A_354 : vector<16xi32> to vector<16xi32>
        tpu.vector_store %arg11[%swap3A_355], %swap3A_358 {strides = array<i32>} : memref<64xi32, #tpu.memory_space<vmem>>, vector<16xi32>,
        %shift_right_arithmetic3A_359 = arith.constant 3 : i32
        %shift_right_arithmetic3A_360 = vector.broadcast %shift_right_arithmetic3A_359 : i32 to vector<16xi32>
        %shift_right_arithmetic3A_361 = arith.shrsi %get3A_354, %shift_right_arithmetic3A_360 : vector<16xi32>
        %add3A_362 = arith.constant 10240 : i32
        %add3A_363 = vector.broadcast %add3A_362 : i32 to vector<16xi32>
        %add3A_364 = arith.addi %shift_right_arithmetic3A_361, %add3A_363 : vector<16xi32>
        %swap3A_365 = arith.constant 48 : index
        %swap3A_366 = tpu.vector_load %arg13[%swap3A_365] {strides = array<i32>} : memref<64xi32, #tpu.memory_space<vmem>>, vector<16xi32>,
        %swap3A_367 = vector.shape_cast %swap3A_366 : vector<16xi32> to vector<16xi32>
        %swap3A_368 = vector.shape_cast %add3A_364 : vector<16xi32> to vector<16xi32>
        tpu.vector_store %arg13[%swap3A_365], %swap3A_368 {strides = array<i32>} : memref<64xi32, #tpu.memory_space<vmem>>, vector<16xi32>,
        %and3A_369 = arith.constant 7 : i32
        %and3A_370 = vector.broadcast %and3A_369 : i32 to vector<16xi32>
        %and3A_371 = arith.andi %get3A_354, %and3A_370 : vector<16xi32>
        %swap3A_372 = arith.constant 48 : index
        %swap3A_373 = tpu.vector_load %arg15[%swap3A_372] {strides = array<i32>} : memref<64xi32, #tpu.memory_space<vmem>>, vector<16xi32>,
        %swap3A_374 = vector.shape_cast %swap3A_373 : vector<16xi32> to vector<16xi32>
        %swap3A_375 = vector.shape_cast %and3A_371 : vector<16xi32> to vector<16xi32>
        tpu.vector_store %arg15[%swap3A_372], %swap3A_375 {strides = array<i32>} : memref<64xi32, #tpu.memory_space<vmem>>, vector<16xi32>,
        %dma_start3A_376 = arith.constant 0 : i32
        %dma_start3A_377 = tpu.memref_slice %arg9[%dma_start3A_376] : memref<128xi32, #tpu.memory_space<vmem>> -> memref<64xi32, #tpu.memory_space<vmem>>
        %dma_start3A_378 = arith.constant 0 : i32
        %dma_start3A_379 = arith.constant 0 : i32
        %dma_start3A_380 = tpu.memref_slice %arg2[%dma_start3A_378, %dma_start3A_379] : memref<10000x128xf32, #tpu.memory_space<hbm>> -> memref<10000x128xf32, #tpu.memory_space<hbm>>
        tpu.enqueue_indirect_dma source(%dma_start3A_380 : memref<10000x128xf32, #tpu.memory_space<hbm>>) target(%arg17 : memref<64x128xf32, #tpu.memory_space<vmem>>) offsets(%dma_start3A_377 : memref<64xi32, #tpu.memory_space<vmem>>) semaphore(%arg23 : memref<!tpu.dma_semaphore, #tpu.memory_space<semaphore_mem>>)
        %dma_start3A_381 = arith.constant 0 : i32
        %dma_start3A_382 = arith.constant 0 : i32
        %dma_start3A_383 = tpu.memref_slice %arg8[%dma_start3A_381, %dma_start3A_382] : memref<8x128xf32, #tpu.memory_space<vmem_shared>> -> memref<8x128xf32, #tpu.memory_space<vmem_shared>>
        tpu.enqueue_indirect_dma source(%dma_start3A_383 : memref<8x128xf32, #tpu.memory_space<vmem_shared>>) target(%arg19 : memref<64x128xf32, #tpu.memory_space<vmem>>) offsets(%arg15 : memref<64xi32, #tpu.memory_space<vmem>>) semaphore(%arg25 : memref<!tpu.dma_semaphore, #tpu.memory_space<semaphore_mem>>)
      } else {
      }
      %add3A_263 = arith.constant 3 : i32
      %add3A_264 = arith.addi %add3A_237, %add3A_263 : i32
      %lt3A_265 = arith.constant 160 : i32
      %lt3A_266 = arith.cmpi slt, %add3A_264, %lt3A_265 : i32
      %convert_element_type3A_267 = arith.extui %lt3A_266 : i1 to i32
      %cond3A_268 = arith.constant 0 : i32
      %cond3A_269 = arith.cmpi ne, %convert_element_type3A_267, %cond3A_268 : i32
      scf.if %cond3A_269 {
        %add3A_270 = arith.constant 3 : i32
        %add3A_271 = arith.addi %add3A_237, %add3A_270 : i32
        %add3A_272 = arith.addi %mul3A_13, %add3A_271 : i32
        %mul3A_273 = arith.constant 2 : i32
        %mul3A_274 = arith.muli %add3A_272, %mul3A_273 : i32
        %mul3A_275 = arith.constant 64 : i32
        %mul3A_276 = arith.muli %mul3A_274, %mul3A_275 : i32
        %multiple_of3A_277 = tpu.assume_multiple %mul3A_276, 8 : i32
        %dma_start3A_278 = tpu.memref_slice %arg3[%multiple_of3A_277] : memref<655360xi32, #tpu.memory_space<hbm>> -> memref<128xi32, #tpu.memory_space<hbm>>
        %dma_start3A_279 = tpu.memref_slice %arg3[%multiple_of3A_277] : memref<655360xi32, #tpu.memory_space<hbm>> -> memref<128xi32, #tpu.memory_space<hbm>>
        tpu.enqueue_dma source(%dma_start3A_279 : memref<128xi32, #tpu.memory_space<hbm>>) target(%arg9 : memref<128xi32, #tpu.memory_space<vmem>>) target_semaphore(%arg21 : memref<!tpu.dma_semaphore, #tpu.memory_space<semaphore_mem>>)
      } else {
      }
    }
    %scan3A_151 = arith.constant 80 : i32
    %dma_wait3A_152 = arith.constant 0 : i32
    %dma_wait3A_153 = arith.constant 0 : i32
    %dma_wait3A_154 = tpu.memref_slice %arg7[%dma_wait3A_152, %dma_wait3A_153] : memref<11520x128xf32, #tpu.memory_space<vmem_shared>> -> memref<11520x128xf32, #tpu.memory_space<vmem_shared>>
    tpu.wait_indirect_dma semaphore(%arg28 : memref<!tpu.dma_semaphore, #tpu.memory_space<semaphore_mem>>) src(%arg18 : memref<64x128xf32, #tpu.memory_space<vmem>>) dst(%dma_wait3A_154 : memref<11520x128xf32, #tpu.memory_space<vmem_shared>>)
    %dma_wait3A_155 = arith.constant 0 : i32
    %dma_wait3A_156 = arith.constant 0 : i32
    %dma_wait3A_157 = tpu.memref_slice %arg7[%dma_wait3A_155, %dma_wait3A_156] : memref<11520x128xf32, #tpu.memory_space<vmem_shared>> -> memref<11520x128xf32, #tpu.memory_space<vmem_shared>>
    tpu.wait_indirect_dma semaphore(%arg30 : memref<!tpu.dma_semaphore, #tpu.memory_space<semaphore_mem>>) src(%arg20 : memref<64x128xf32, #tpu.memory_space<vmem>>) dst(%dma_wait3A_157 : memref<11520x128xf32, #tpu.memory_space<vmem_shared>>)
    %barrier3A_158 = arith.constant 0 : index
    tpu.barrier barrier_id(%barrier3A_158)
    %scan3A_159 = arith.constant 0 : i32
    %scan3A_160 = arith.constant 9 : i32
    %scan3A_161 = arith.addi %scan3A_159, %scan3A_160 : i32
    %scan3A_162 = arith.constant 1 : i32
    scf.for %scan3A_196 = %scan3A_159 to %scan3A_161 step %scan3A_162  : i32 {
      %mul3A_197 = arith.constant 1 : i32
      %mul3A_198 = arith.muli %scan3A_196, %mul3A_197 : i32
      %add3A_199 = arith.constant 0 : i32
      %add3A_200 = arith.addi %add3A_199, %mul3A_198 : i32
      %mul3A_201 = arith.constant 2 : i32
      %mul3A_202 = arith.muli %add3A_200, %mul3A_201 : i32
      %add3A_203 = arith.constant 0 : i32
      %add3A_204 = arith.addi %mul3A_202, %add3A_203 : i32
      %mul3A_205 = arith.constant 720 : i32
      %mul3A_206 = arith.muli %arg1, %mul3A_205 : i32
      %mul3A_207 = arith.constant 40 : i32
      %mul3A_208 = arith.muli %add3A_204, %mul3A_207 : i32
      %add3A_209 = arith.addi %mul3A_206, %mul3A_208 : i32
      %multiple_of3A_210 = tpu.assume_multiple %add3A_209, 8 : i32
      %mul3A_211 = arith.constant 11520 : i32
      %mul3A_212 = arith.muli %arg0, %mul3A_211 : i32
      %mul3A_213 = arith.constant 720 : i32
      %mul3A_214 = arith.muli %arg1, %mul3A_213 : i32
      %add3A_215 = arith.addi %mul3A_212, %mul3A_214 : i32
      %mul3A_216 = arith.constant 40 : i32
      %mul3A_217 = arith.muli %add3A_204, %mul3A_216 : i32
      %add3A_218 = arith.addi %add3A_215, %mul3A_217 : i32
      %multiple_of3A_219 = tpu.assume_multiple %add3A_218, 8 : i32
      %gt3A = arith.constant 0 : i32
      %gt3A_220 = arith.cmpi sgt, %add3A_200, %gt3A : i32
      %convert_element_type3A_221 = arith.extui %gt3A_220 : i1 to i32
      %cond3A_222 = arith.constant 0 : i32
      %cond3A_223 = arith.cmpi ne, %convert_element_type3A_221, %cond3A_222 : i32
      scf.if %cond3A_223 {
        %dma_wait3A_268 = arith.constant 0 : i32
        %dma_wait3A_269 = arith.constant 0 : i32
        %dma_wait3A_270 = tpu.memref_slice %arg17[%dma_wait3A_268, %dma_wait3A_269] : memref<64x128xf32, #tpu.memory_space<vmem>> -> memref<40x128xf32, #tpu.memory_space<vmem>>
        %dma_wait3A_271 = arith.constant 0 : i32
        %dma_wait3A_272 = tpu.memref_slice %arg6[%multiple_of3A_219, %dma_wait3A_271] : memref<23040x128xf32, #tpu.memory_space<hbm>> -> memref<40x128xf32, #tpu.memory_space<hbm>>
        %dma_wait3A_273 = arith.constant 0 : i32
        %dma_wait3A_274 = tpu.memref_slice %arg6[%multiple_of3A_219, %dma_wait3A_273] : memref<23040x128xf32, #tpu.memory_space<hbm>> -> memref<40x128xf32, #tpu.memory_space<hbm>>
        %dma_wait3A_275 = arith.constant 0 : i32
        %dma_wait3A_276 = arith.constant 0 : i32
        %dma_wait3A_277 = tpu.memref_slice %arg17[%dma_wait3A_275, %dma_wait3A_276] : memref<64x128xf32, #tpu.memory_space<vmem>> -> memref<40x128xf32, #tpu.memory_space<vmem>>
        tpu.wait_dma2 semaphore(%arg31 : memref<!tpu.dma_semaphore, #tpu.memory_space<semaphore_mem>>) src(%dma_wait3A_277 : memref<40x128xf32, #tpu.memory_space<vmem>>) dst(%dma_wait3A_274 : memref<40x128xf32, #tpu.memory_space<hbm>>)
      } else {
      }
      "tpu.region"() ({
        %run_scoped3A = tpu.sem_alloc : memref<!tpu.dma_semaphore, #tpu.memory_space<semaphore_mem>>
        %dma_start3A_268 = arith.constant 0 : i32
        %dma_start3A_269 = arith.constant 0 : i32
        %dma_start3A_270 = tpu.memref_slice %arg17[%dma_start3A_268, %dma_start3A_269] : memref<64x128xf32, #tpu.memory_space<vmem>> -> memref<40x128xf32, #tpu.memory_space<vmem>>
        %dma_start3A_271 = arith.constant 0 : i32
        %dma_start3A_272 = tpu.memref_slice %arg7[%multiple_of3A_210, %dma_start3A_271] : memref<11520x128xf32, #tpu.memory_space<vmem_shared>> -> memref<40x128xf32, #tpu.memory_space<vmem_shared>>
        %dma_start3A_273 = arith.constant 0 : i32
        %dma_start3A_274 = arith.constant 0 : i32
        %dma_start3A_275 = tpu.memref_slice %arg17[%dma_start3A_273, %dma_start3A_274] : memref<64x128xf32, #tpu.memory_space<vmem>> -> memref<40x128xf32, #tpu.memory_space<vmem>>
        %dma_start3A_276 = arith.constant 0 : i32
        %dma_start3A_277 = tpu.memref_slice %arg7[%multiple_of3A_210, %dma_start3A_276] : memref<11520x128xf32, #tpu.memory_space<vmem_shared>> -> memref<40x128xf32, #tpu.memory_space<vmem_shared>>
        tpu.enqueue_dma source(%dma_start3A_277 : memref<40x128xf32, #tpu.memory_space<vmem_shared>>) target(%dma_start3A_275 : memref<40x128xf32, #tpu.memory_space<vmem>>) target_semaphore(%run_scoped3A : memref<!tpu.dma_semaphore, #tpu.memory_space<semaphore_mem>>)
        %dma_wait3A_278 = arith.constant 0 : i32
        %dma_wait3A_279 = arith.constant 0 : i32
        %dma_wait3A_280 = tpu.memref_slice %arg17[%dma_wait3A_278, %dma_wait3A_279] : memref<64x128xf32, #tpu.memory_space<vmem>> -> memref<40x128xf32, #tpu.memory_space<vmem>>
        %dma_wait3A_281 = arith.constant 0 : i32
        %dma_wait3A_282 = tpu.memref_slice %arg7[%multiple_of3A_210, %dma_wait3A_281] : memref<11520x128xf32, #tpu.memory_space<vmem_shared>> -> memref<40x128xf32, #tpu.memory_space<vmem_shared>>
        %dma_wait3A_283 = arith.constant 0 : i32
        %dma_wait3A_284 = arith.constant 0 : i32
        %dma_wait3A_285 = tpu.memref_slice %arg17[%dma_wait3A_283, %dma_wait3A_284] : memref<64x128xf32, #tpu.memory_space<vmem>> -> memref<40x128xf32, #tpu.memory_space<vmem>>
        %dma_wait3A_286 = arith.constant 0 : i32
        %dma_wait3A_287 = tpu.memref_slice %arg7[%multiple_of3A_210, %dma_wait3A_286] : memref<11520x128xf32, #tpu.memory_space<vmem_shared>> -> memref<40x128xf32, #tpu.memory_space<vmem_shared>>
        tpu.wait_dma2 semaphore(%run_scoped3A : memref<!tpu.dma_semaphore, #tpu.memory_space<semaphore_mem>>) src(%dma_wait3A_287 : memref<40x128xf32, #tpu.memory_space<vmem_shared>>) dst(%dma_wait3A_285 : memref<40x128xf32, #tpu.memory_space<vmem>>)
        tpu.yield
      }) : () -> ()
      %dma_start3A_224 = arith.constant 0 : i32
      %dma_start3A_225 = arith.constant 0 : i32
      %dma_start3A_226 = tpu.memref_slice %arg17[%dma_start3A_224, %dma_start3A_225] : memref<64x128xf32, #tpu.memory_space<vmem>> -> memref<40x128xf32, #tpu.memory_space<vmem>>
      %dma_start3A_227 = arith.constant 0 : i32
      %dma_start3A_228 = tpu.memref_slice %arg6[%multiple_of3A_219, %dma_start3A_227] : memref<23040x128xf32, #tpu.memory_space<hbm>> -> memref<40x128xf32, #tpu.memory_space<hbm>>
      %dma_start3A_229 = arith.constant 0 : i32
      %dma_start3A_230 = tpu.memref_slice %arg6[%multiple_of3A_219, %dma_start3A_229] : memref<23040x128xf32, #tpu.memory_space<hbm>> -> memref<40x128xf32, #tpu.memory_space<hbm>>
      %dma_start3A_231 = arith.constant 0 : i32
      %dma_start3A_232 = arith.constant 0 : i32
      %dma_start3A_233 = tpu.memref_slice %arg17[%dma_start3A_231, %dma_start3A_232] : memref<64x128xf32, #tpu.memory_space<vmem>> -> memref<40x128xf32, #tpu.memory_space<vmem>>
      tpu.enqueue_dma source(%dma_start3A_233 : memref<40x128xf32, #tpu.memory_space<vmem>>) target(%dma_start3A_230 : memref<40x128xf32, #tpu.memory_space<hbm>>) target_semaphore(%arg31 : memref<!tpu.dma_semaphore, #tpu.memory_space<semaphore_mem>>)
      %mul3A_234 = arith.constant 2 : i32
      %mul3A_235 = arith.muli %add3A_200, %mul3A_234 : i32
      %add3A_236 = arith.constant 1 : i32
      %add3A_237 = arith.addi %mul3A_235, %add3A_236 : i32
      %mul3A_238 = arith.constant 720 : i32
      %mul3A_239 = arith.muli %arg1, %mul3A_238 : i32
      %mul3A_240 = arith.constant 40 : i32
      %mul3A_241 = arith.muli %add3A_237, %mul3A_240 : i32
      %add3A_242 = arith.addi %mul3A_239, %mul3A_241 : i32
      %multiple_of3A_243 = tpu.assume_multiple %add3A_242, 8 : i32
      %mul3A_244 = arith.constant 11520 : i32
      %mul3A_245 = arith.muli %arg0, %mul3A_244 : i32
      %mul3A_246 = arith.constant 720 : i32
      %mul3A_247 = arith.muli %arg1, %mul3A_246 : i32
      %add3A_248 = arith.addi %mul3A_245, %mul3A_247 : i32
      %mul3A_249 = arith.constant 40 : i32
      %mul3A_250 = arith.muli %add3A_237, %mul3A_249 : i32
      %add3A_251 = arith.addi %add3A_248, %mul3A_250 : i32
      %multiple_of3A_252 = tpu.assume_multiple %add3A_251, 8 : i32
      %gt3A_253 = arith.constant 0 : i32
      %gt3A_254 = arith.cmpi sgt, %add3A_200, %gt3A_253 : i32
      %convert_element_type3A_255 = arith.extui %gt3A_254 : i1 to i32
      %cond3A_256 = arith.constant 0 : i32
      %cond3A_257 = arith.cmpi ne, %convert_element_type3A_255, %cond3A_256 : i32
      scf.if %cond3A_257 {
        %dma_wait3A_268 = arith.constant 0 : i32
        %dma_wait3A_269 = arith.constant 0 : i32
        %dma_wait3A_270 = tpu.memref_slice %arg18[%dma_wait3A_268, %dma_wait3A_269] : memref<64x128xf32, #tpu.memory_space<vmem>> -> memref<40x128xf32, #tpu.memory_space<vmem>>
        %dma_wait3A_271 = arith.constant 0 : i32
        %dma_wait3A_272 = tpu.memref_slice %arg6[%multiple_of3A_252, %dma_wait3A_271] : memref<23040x128xf32, #tpu.memory_space<hbm>> -> memref<40x128xf32, #tpu.memory_space<hbm>>
        %dma_wait3A_273 = arith.constant 0 : i32
        %dma_wait3A_274 = tpu.memref_slice %arg6[%multiple_of3A_252, %dma_wait3A_273] : memref<23040x128xf32, #tpu.memory_space<hbm>> -> memref<40x128xf32, #tpu.memory_space<hbm>>
        %dma_wait3A_275 = arith.constant 0 : i32
        %dma_wait3A_276 = arith.constant 0 : i32
        %dma_wait3A_277 = tpu.memref_slice %arg18[%dma_wait3A_275, %dma_wait3A_276] : memref<64x128xf32, #tpu.memory_space<vmem>> -> memref<40x128xf32, #tpu.memory_space<vmem>>
        tpu.wait_dma2 semaphore(%arg31 : memref<!tpu.dma_semaphore, #tpu.memory_space<semaphore_mem>>) src(%dma_wait3A_277 : memref<40x128xf32, #tpu.memory_space<vmem>>) dst(%dma_wait3A_274 : memref<40x128xf32, #tpu.memory_space<hbm>>)
      } else {
      }
      "tpu.region"() ({
        %run_scoped3A = tpu.sem_alloc : memref<!tpu.dma_semaphore, #tpu.memory_space<semaphore_mem>>
        %dma_start3A_268 = arith.constant 0 : i32
        %dma_start3A_269 = arith.constant 0 : i32
        %dma_start3A_270 = tpu.memref_slice %arg18[%dma_start3A_268, %dma_start3A_269] : memref<64x128xf32, #tpu.memory_space<vmem>> -> memref<40x128xf32, #tpu.memory_space<vmem>>
        %dma_start3A_271 = arith.constant 0 : i32
        %dma_start3A_272 = tpu.memref_slice %arg7[%multiple_of3A_243, %dma_start3A_271] : memref<11520x128xf32, #tpu.memory_space<vmem_shared>> -> memref<40x128xf32, #tpu.memory_space<vmem_shared>>
        %dma_start3A_273 = arith.constant 0 : i32
        %dma_start3A_274 = arith.constant 0 : i32
        %dma_start3A_275 = tpu.memref_slice %arg18[%dma_start3A_273, %dma_start3A_274] : memref<64x128xf32, #tpu.memory_space<vmem>> -> memref<40x128xf32, #tpu.memory_space<vmem>>
        %dma_start3A_276 = arith.constant 0 : i32
        %dma_start3A_277 = tpu.memref_slice %arg7[%multiple_of3A_243, %dma_start3A_276] : memref<11520x128xf32, #tpu.memory_space<vmem_shared>> -> memref<40x128xf32, #tpu.memory_space<vmem_shared>>
        tpu.enqueue_dma source(%dma_start3A_277 : memref<40x128xf32, #tpu.memory_space<vmem_shared>>) target(%dma_start3A_275 : memref<40x128xf32, #tpu.memory_space<vmem>>) target_semaphore(%run_scoped3A : memref<!tpu.dma_semaphore, #tpu.memory_space<semaphore_mem>>)
        %dma_wait3A_278 = arith.constant 0 : i32
        %dma_wait3A_279 = arith.constant 0 : i32
        %dma_wait3A_280 = tpu.memref_slice %arg18[%dma_wait3A_278, %dma_wait3A_279] : memref<64x128xf32, #tpu.memory_space<vmem>> -> memref<40x128xf32, #tpu.memory_space<vmem>>
        %dma_wait3A_281 = arith.constant 0 : i32
        %dma_wait3A_282 = tpu.memref_slice %arg7[%multiple_of3A_243, %dma_wait3A_281] : memref<11520x128xf32, #tpu.memory_space<vmem_shared>> -> memref<40x128xf32, #tpu.memory_space<vmem_shared>>
        %dma_wait3A_283 = arith.constant 0 : i32
        %dma_wait3A_284 = arith.constant 0 : i32
        %dma_wait3A_285 = tpu.memref_slice %arg18[%dma_wait3A_283, %dma_wait3A_284] : memref<64x128xf32, #tpu.memory_space<vmem>> -> memref<40x128xf32, #tpu.memory_space<vmem>>
        %dma_wait3A_286 = arith.constant 0 : i32
        %dma_wait3A_287 = tpu.memref_slice %arg7[%multiple_of3A_243, %dma_wait3A_286] : memref<11520x128xf32, #tpu.memory_space<vmem_shared>> -> memref<40x128xf32, #tpu.memory_space<vmem_shared>>
        tpu.wait_dma2 semaphore(%run_scoped3A : memref<!tpu.dma_semaphore, #tpu.memory_space<semaphore_mem>>) src(%dma_wait3A_287 : memref<40x128xf32, #tpu.memory_space<vmem_shared>>) dst(%dma_wait3A_285 : memref<40x128xf32, #tpu.memory_space<vmem>>)
        tpu.yield
      }) : () -> ()
      %dma_start3A_258 = arith.constant 0 : i32
      %dma_start3A_259 = arith.constant 0 : i32
      %dma_start3A_260 = tpu.memref_slice %arg18[%dma_start3A_258, %dma_start3A_259] : memref<64x128xf32, #tpu.memory_space<vmem>> -> memref<40x128xf32, #tpu.memory_space<vmem>>
      %dma_start3A_261 = arith.constant 0 : i32
      %dma_start3A_262 = tpu.memref_slice %arg6[%multiple_of3A_252, %dma_start3A_261] : memref<23040x128xf32, #tpu.memory_space<hbm>> -> memref<40x128xf32, #tpu.memory_space<hbm>>
      %dma_start3A_263 = arith.constant 0 : i32
      %dma_start3A_264 = tpu.memref_slice %arg6[%multiple_of3A_252, %dma_start3A_263] : memref<23040x128xf32, #tpu.memory_space<hbm>> -> memref<40x128xf32, #tpu.memory_space<hbm>>
      %dma_start3A_265 = arith.constant 0 : i32
      %dma_start3A_266 = arith.constant 0 : i32
      %dma_start3A_267 = tpu.memref_slice %arg18[%dma_start3A_265, %dma_start3A_266] : memref<64x128xf32, #tpu.memory_space<vmem>> -> memref<40x128xf32, #tpu.memory_space<vmem>>
      tpu.enqueue_dma source(%dma_start3A_267 : memref<40x128xf32, #tpu.memory_space<vmem>>) target(%dma_start3A_264 : memref<40x128xf32, #tpu.memory_space<hbm>>) target_semaphore(%arg31 : memref<!tpu.dma_semaphore, #tpu.memory_space<semaphore_mem>>)
    }
    %scan3A_163 = arith.constant 9 : i32
    %mul3A_164 = arith.constant 11520 : i32
    %mul3A_165 = arith.muli %arg0, %mul3A_164 : i32
    %mul3A_166 = arith.constant 720 : i32
    %mul3A_167 = arith.muli %arg1, %mul3A_166 : i32
    %add3A_168 = arith.addi %mul3A_165, %mul3A_167 : i32
    %multiple_of3A_169 = tpu.assume_multiple %add3A_168, 8 : i32
    %dma_wait3A_170 = arith.constant 0 : i32
    %dma_wait3A_171 = arith.constant 0 : i32
    %dma_wait3A_172 = tpu.memref_slice %arg17[%dma_wait3A_170, %dma_wait3A_171] : memref<64x128xf32, #tpu.memory_space<vmem>> -> memref<40x128xf32, #tpu.memory_space<vmem>>
    %dma_wait3A_173 = arith.constant 0 : i32
    %dma_wait3A_174 = tpu.memref_slice %arg6[%multiple_of3A_169, %dma_wait3A_173] : memref<23040x128xf32, #tpu.memory_space<hbm>> -> memref<40x128xf32, #tpu.memory_space<hbm>>
    %dma_wait3A_175 = arith.constant 0 : i32
    %dma_wait3A_176 = tpu.memref_slice %arg6[%multiple_of3A_169, %dma_wait3A_175] : memref<23040x128xf32, #tpu.memory_space<hbm>> -> memref<40x128xf32, #tpu.memory_space<hbm>>
    %dma_wait3A_177 = arith.constant 0 : i32
    %dma_wait3A_178 = arith.constant 0 : i32
    %dma_wait3A_179 = tpu.memref_slice %arg17[%dma_wait3A_177, %dma_wait3A_178] : memref<64x128xf32, #tpu.memory_space<vmem>> -> memref<40x128xf32, #tpu.memory_space<vmem>>
    tpu.wait_dma2 semaphore(%arg31 : memref<!tpu.dma_semaphore, #tpu.memory_space<semaphore_mem>>) src(%dma_wait3A_179 : memref<40x128xf32, #tpu.memory_space<vmem>>) dst(%dma_wait3A_176 : memref<40x128xf32, #tpu.memory_space<hbm>>)
    %mul3A_180 = arith.constant 11520 : i32
    %mul3A_181 = arith.muli %arg0, %mul3A_180 : i32
    %mul3A_182 = arith.constant 720 : i32
    %mul3A_183 = arith.muli %arg1, %mul3A_182 : i32
    %add3A_184 = arith.addi %mul3A_181, %mul3A_183 : i32
    %multiple_of3A_185 = tpu.assume_multiple %add3A_184, 8 : i32
    %dma_wait3A_186 = arith.constant 0 : i32
    %dma_wait3A_187 = arith.constant 0 : i32
    %dma_wait3A_188 = tpu.memref_slice %arg18[%dma_wait3A_186, %dma_wait3A_187] : memref<64x128xf32, #tpu.memory_space<vmem>> -> memref<40x128xf32, #tpu.memory_space<vmem>>
    %dma_wait3A_189 = arith.constant 0 : i32
    %dma_wait3A_190 = tpu.memref_slice %arg6[%multiple_of3A_185, %dma_wait3A_189] : memref<23040x128xf32, #tpu.memory_space<hbm>> -> memref<40x128xf32, #tpu.memory_space<hbm>>
    %dma_wait3A_191 = arith.constant 0 : i32
    %dma_wait3A_192 = tpu.memref_slice %arg6[%multiple_of3A_185, %dma_wait3A_191] : memref<23040x128xf32, #tpu.memory_space<hbm>> -> memref<40x128xf32, #tpu.memory_space<hbm>>
    %dma_wait3A_193 = arith.constant 0 : i32
    %dma_wait3A_194 = arith.constant 0 : i32
    %dma_wait3A_195 = tpu.memref_slice %arg18[%dma_wait3A_193, %dma_wait3A_194] : memref<64x128xf32, #tpu.memory_space<vmem>> -> memref<40x128xf32, #tpu.memory_space<vmem>>
    tpu.wait_dma2 semaphore(%arg31 : memref<!tpu.dma_semaphore, #tpu.memory_space<semaphore_mem>>) src(%dma_wait3A_195 : memref<40x128xf32, #tpu.memory_space<vmem>>) dst(%dma_wait3A_192 : memref<40x128xf32, #tpu.memory_space<hbm>>)
    return
  }
}

module attributes {stable_mosaic.version = 14 : i64} {
  func.func @_k1_body(%arg0: i32, %arg1: memref<1024x128xf32, #tpu.memory_space<vmem>>, %arg2: memref<128x128xf32, #tpu.memory_space<vmem>>, %arg3: memref<1x128xf32, #tpu.memory_space<vmem>>, %arg4: memref<1024x128xf32, #tpu.memory_space<vmem>>) attributes {dimension_semantics = [#tpu.dimension_semantics<arbitrary>], iteration_bounds = array<i64: 10>, scalar_prefetch = 0 : i64, scratch_operands = 0 : i64, tpu.core_type = #tpu.core_type<tc>, window_params = [{transform_indices = @transform_0, window_bounds = array<i64: 1024, 128>}, {pipeline_mode = #tpu.pipeline_mode<synchronous>, transform_indices = @transform_1, window_bounds = array<i64: 128, 128>}, {pipeline_mode = #tpu.pipeline_mode<synchronous>, transform_indices = @transform_2, window_bounds = array<i64: 1, 128>}, {transform_indices = @transform_3, window_bounds = array<i64: 1024, 128>}]} {
    %get3A = arith.constant 0 : index
    %get3A_0 = arith.constant 0 : index
    %get3A_1 = vector.load %arg1[%get3A, %get3A_0] : memref<1024x128xf32, #tpu.memory_space<vmem>>, vector<1024x128xf32>
    %get3A_2 = arith.constant 0 : index
    %get3A_3 = arith.constant 0 : index
    %get3A_4 = vector.load %arg2[%get3A_2, %get3A_3] : memref<128x128xf32, #tpu.memory_space<vmem>>, vector<128x128xf32>
    %dot_general3A = arith.constant dense<0.000000e+00> : vector<1024x128xf32>
    %dot_general3A_5 = tpu.matmul %get3A_1, %get3A_4, %dot_general3A {dimension_numbers = #tpu.dot_dimension_numbers<[1], [0], [0], [1], [0, 0, 1, 1], [], []>, transpose_lhs_hint = false} : vector<1024x128xf32>, vector<128x128xf32>, vector<1024x128xf32> -> vector<1024x128xf32>
    %get3A_6 = arith.constant 0 : index
    %get3A_7 = arith.constant 0 : index
    %get3A_8 = vector.load %arg3[%get3A_6, %get3A_7] : memref<1x128xf32, #tpu.memory_space<vmem>>, vector<1x128xf32>
    %add3A = vector.broadcast %get3A_8 : vector<1x128xf32> to vector<1024x128xf32>
    %add3A_9 = arith.addf %dot_general3A_5, %add3A : vector<1024x128xf32>
    %max3A = arith.constant 0.000000e+00 : f32
    %max3A_10 = vector.broadcast %max3A : f32 to vector<1024x128xf32>
    %max3A_11 = arith.maximumf %add3A_9, %max3A_10 : vector<1024x128xf32>
    %swap3A = arith.constant 0 : index
    %swap3A_12 = arith.constant 0 : index
    %swap3A_13 = vector.load %arg4[%swap3A, %swap3A_12] : memref<1024x128xf32, #tpu.memory_space<vmem>>, vector<1024x128xf32>
    tpu.vector_store %arg4[%swap3A, %swap3A_12], %max3A_11 {strides = array<i32>} : memref<1024x128xf32, #tpu.memory_space<vmem>>, vector<1024x128xf32>,
    return
  }
  func.func @transform_0(%arg0: i32) -> (i32, i32) {
    %c0_i32 = arith.constant 0 : i32
    %c0_i32_0 = arith.constant 0 : i32
    return %arg0, %c0_i32 : i32, i32
  }
  func.func @transform_1(%arg0: i32) -> (i32, i32) {
    %c0_i32 = arith.constant 0 : i32
    %c0_i32_0 = arith.constant 0 : i32
    %c0_i32_1 = arith.constant 0 : i32
    return %c0_i32, %c0_i32_0 : i32, i32
  }
  func.func @transform_2(%arg0: i32) -> (i32, i32) {
    %c0_i32 = arith.constant 0 : i32
    %c0_i32_0 = arith.constant 0 : i32
    %c0_i32_1 = arith.constant 0 : i32
    return %c0_i32, %c0_i32_0 : i32, i32
  }
  func.func @transform_3(%arg0: i32) -> (i32, i32) {
    %c0_i32 = arith.constant 0 : i32
    %c0_i32_0 = arith.constant 0 : i32
    return %arg0, %c0_i32 : i32, i32
  }
}

module attributes {stable_mosaic.version = 14 : i64} {
  func.func @_k2_body(%arg0: i32, %arg1: memref<1024x128xf32, #tpu.memory_space<vmem>>, %arg2: memref<1024x128xf32, #tpu.memory_space<vmem>>, %arg3: memref<1024x16xf32, #tpu.memory_space<vmem>>, %arg4: memref<1024x16xf32, #tpu.memory_space<vmem>>, %arg5: memref<1024x128xf32, #tpu.memory_space<vmem>>, %arg6: memref<128x128xf32, #tpu.memory_space<vmem>>, %arg7: memref<1x128xf32, #tpu.memory_space<vmem>>, %arg8: memref<128x384xf32, #tpu.memory_space<vmem>>, %arg9: memref<1x384xf32, #tpu.memory_space<vmem>>, %arg10: memref<128x384xf32, #tpu.memory_space<vmem>>, %arg11: memref<1x384xf32, #tpu.memory_space<vmem>>, %arg12: memref<3x128xf32, #tpu.memory_space<vmem>>, %arg13: memref<3x128xf32, #tpu.memory_space<vmem>>, %arg14: memref<1024x128xf32, #tpu.memory_space<vmem>>) attributes {dimension_semantics = [#tpu.dimension_semantics<arbitrary>], iteration_bounds = array<i64: 10>, scalar_prefetch = 0 : i64, scratch_operands = 0 : i64, tpu.core_type = #tpu.core_type<tc>, window_params = [{transform_indices = @transform_0, window_bounds = array<i64: 1024, 128>}, {transform_indices = @transform_1, window_bounds = array<i64: 1024, 128>}, {transform_indices = @transform_2, window_bounds = array<i64: 1024, 16>}, {transform_indices = @transform_3, window_bounds = array<i64: 1024, 16>}, {transform_indices = @transform_4, window_bounds = array<i64: 1024, 128>}, {pipeline_mode = #tpu.pipeline_mode<synchronous>, transform_indices = @transform_5, window_bounds = array<i64: 128, 128>}, {pipeline_mode = #tpu.pipeline_mode<synchronous>, transform_indices = @transform_6, window_bounds = array<i64: 1, 128>}, {pipeline_mode = #tpu.pipeline_mode<synchronous>, transform_indices = @transform_7, window_bounds = array<i64: 128, 384>}, {pipeline_mode = #tpu.pipeline_mode<synchronous>, transform_indices = @transform_8, window_bounds = array<i64: 1, 384>}, {pipeline_mode = #tpu.pipeline_mode<synchronous>, transform_indices = @transform_9, window_bounds = array<i64: 128, 384>}, {pipeline_mode = #tpu.pipeline_mode<synchronous>, transform_indices = @transform_10, window_bounds = array<i64: 1, 384>}, {pipeline_mode = #tpu.pipeline_mode<synchronous>, transform_indices = @transform_11, window_bounds = array<i64: 3, 128>}, {pipeline_mode = #tpu.pipeline_mode<synchronous>, transform_indices = @transform_12, window_bounds = array<i64: 3, 128>}, {transform_indices = @transform_13, window_bounds = array<i64: 1024, 128>}]} {
    %get3A = arith.constant 0 : index
    %get3A_0 = arith.constant 0 : index
    %get3A_1 = vector.load %arg3[%get3A, %get3A_0] : memref<1024x16xf32, #tpu.memory_space<vmem>>, vector<1024x1xf32>
    %get3A_2 = arith.constant 0 : index
    %get3A_3 = arith.constant 0 : index
    %get3A_4 = vector.load %arg4[%get3A_2, %get3A_3] : memref<1024x16xf32, #tpu.memory_space<vmem>>, vector<1024x1xf32>
    %add3A = arith.addf %get3A_1, %get3A_4 : vector<1024x1xf32>
    %max3A = arith.constant 1.000000e+00 : f32
    %max3A_5 = vector.broadcast %max3A : f32 to vector<1024x1xf32>
    %max3A_6 = arith.maximumf %add3A, %max3A_5 : vector<1024x1xf32>
    %get3A_7 = arith.constant 0 : index
    %get3A_8 = arith.constant 0 : index
    %get3A_9 = vector.load %arg1[%get3A_7, %get3A_8] : memref<1024x128xf32, #tpu.memory_space<vmem>>, vector<1024x128xf32>
    %get3A_10 = arith.constant 0 : index
    %get3A_11 = arith.constant 0 : index
    %get3A_12 = vector.load %arg2[%get3A_10, %get3A_11] : memref<1024x128xf32, #tpu.memory_space<vmem>>, vector<1024x128xf32>
    %add3A_13 = arith.addf %get3A_9, %get3A_12 : vector<1024x128xf32>
    %div3A = vector.broadcast %max3A_6 : vector<1024x1xf32> to vector<1024x128xf32>
    %div3A_14 = arith.divf %add3A_13, %div3A : vector<1024x128xf32>
    %get3A_15 = arith.constant 0 : index
    %get3A_16 = arith.constant 0 : index
    %get3A_17 = vector.load %arg6[%get3A_15, %get3A_16] : memref<128x128xf32, #tpu.memory_space<vmem>>, vector<128x128xf32>
    %dot_general3A = arith.constant dense<0.000000e+00> : vector<1024x128xf32>
    %dot_general3A_18 = tpu.matmul %div3A_14, %get3A_17, %dot_general3A {dimension_numbers = #tpu.dot_dimension_numbers<[1], [0], [0], [1], [0, 0, 1, 1], [], []>, transpose_lhs_hint = false} : vector<1024x128xf32>, vector<128x128xf32>, vector<1024x128xf32> -> vector<1024x128xf32>
    %get3A_19 = arith.constant 0 : index
    %get3A_20 = arith.constant 0 : index
    %get3A_21 = vector.load %arg7[%get3A_19, %get3A_20] : memref<1x128xf32, #tpu.memory_space<vmem>>, vector<1x128xf32>
    %add3A_22 = vector.broadcast %get3A_21 : vector<1x128xf32> to vector<1024x128xf32>
    %add3A_23 = arith.addf %dot_general3A_18, %add3A_22 : vector<1024x128xf32>
    %get3A_24 = arith.constant 0 : index
    %get3A_25 = arith.constant 0 : index
    %get3A_26 = vector.load %arg8[%get3A_24, %get3A_25] : memref<128x384xf32, #tpu.memory_space<vmem>>, vector<128x384xf32>
    %dot_general3A_27 = arith.constant dense<0.000000e+00> : vector<1024x384xf32>
    %dot_general3A_28 = tpu.matmul %add3A_23, %get3A_26, %dot_general3A_27 {dimension_numbers = #tpu.dot_dimension_numbers<[1], [0], [0], [1], [0, 0, 1, 1], [], []>, transpose_lhs_hint = false} : vector<1024x128xf32>, vector<128x384xf32>, vector<1024x384xf32> -> vector<1024x384xf32>
    %get3A_29 = arith.constant 0 : index
    %get3A_30 = arith.constant 0 : index
    %get3A_31 = vector.load %arg9[%get3A_29, %get3A_30] : memref<1x384xf32, #tpu.memory_space<vmem>>, vector<1x384xf32>
    %add3A_32 = vector.broadcast %get3A_31 : vector<1x384xf32> to vector<1024x384xf32>
    %add3A_33 = arith.addf %dot_general3A_28, %add3A_32 : vector<1024x384xf32>
    %slice3A = vector.extract_strided_slice %add3A_33 {offsets = [0, 0], sizes = [1024, 128], strides = [1, 1]} : vector<1024x384xf32> to vector<1024x128xf32>
    %slice3A_34 = vector.extract_strided_slice %add3A_33 {offsets = [0, 128], sizes = [1024, 128], strides = [1, 1]} : vector<1024x384xf32> to vector<1024x128xf32>
    %slice3A_35 = vector.extract_strided_slice %add3A_33 {offsets = [0, 256], sizes = [1024, 128], strides = [1, 1]} : vector<1024x384xf32> to vector<1024x128xf32>
    %get3A_36 = arith.constant 0 : index
    %get3A_37 = arith.constant 0 : index
    %get3A_38 = vector.load %arg12[%get3A_36, %get3A_37] : memref<3x128xf32, #tpu.memory_space<vmem>>, vector<3x128xf32>
    %get3A_39 = arith.constant 0 : index
    %get3A_40 = arith.constant 0 : index
    %get3A_41 = vector.load %arg13[%get3A_39, %get3A_40] : memref<3x128xf32, #tpu.memory_space<vmem>>, vector<3x128xf32>
    %get3A_42 = arith.constant 0 : index
    %get3A_43 = arith.constant 0 : index
    %get3A_44 = vector.load %arg5[%get3A_42, %get3A_43] : memref<1024x128xf32, #tpu.memory_space<vmem>>, vector<1024x128xf32>
    %get3A_45 = arith.constant 0 : index
    %get3A_46 = arith.constant 0 : index
    %get3A_47 = vector.load %arg10[%get3A_45, %get3A_46] : memref<128x384xf32, #tpu.memory_space<vmem>>, vector<128x384xf32>
    %dot_general3A_48 = arith.constant dense<0.000000e+00> : vector<1024x384xf32>
    %dot_general3A_49 = tpu.matmul %get3A_44, %get3A_47, %dot_general3A_48 {dimension_numbers = #tpu.dot_dimension_numbers<[1], [0], [0], [1], [0, 0, 1, 1], [], []>, transpose_lhs_hint = false} : vector<1024x128xf32>, vector<128x384xf32>, vector<1024x384xf32> -> vector<1024x384xf32>
    %get3A_50 = arith.constant 0 : index
    %get3A_51 = arith.constant 0 : index
    %get3A_52 = vector.load %arg11[%get3A_50, %get3A_51] : memref<1x384xf32, #tpu.memory_space<vmem>>, vector<1x384xf32>
    %add3A_53 = vector.broadcast %get3A_52 : vector<1x384xf32> to vector<1024x384xf32>
    %add3A_54 = arith.addf %dot_general3A_49, %add3A_53 : vector<1024x384xf32>
    %slice3A_55 = vector.extract_strided_slice %add3A_54 {offsets = [0, 0], sizes = [1024, 128], strides = [1, 1]} : vector<1024x384xf32> to vector<1024x128xf32>
    %slice3A_56 = vector.extract_strided_slice %add3A_54 {offsets = [0, 128], sizes = [1024, 128], strides = [1, 1]} : vector<1024x384xf32> to vector<1024x128xf32>
    %slice3A_57 = vector.extract_strided_slice %add3A_54 {offsets = [0, 256], sizes = [1024, 128], strides = [1, 1]} : vector<1024x384xf32> to vector<1024x128xf32>
    %add3A_58 = arith.addf %slice3A, %slice3A_55 : vector<1024x128xf32>
    %reduce_sum3A = arith.constant dense<0.000000e+00> : vector<1024xf32>
    %reduce_sum3A_59 = vector.multi_reduction <add>, %add3A_58, %reduce_sum3A [1] : vector<1024x128xf32> to vector<1024xf32>
    %broadcast_in_dim3A = vector.shape_cast %reduce_sum3A_59 : vector<1024xf32> to vector<1024x1xf32>
    %div3A_60 = arith.constant 1.280000e+02 : f32
    %div3A_61 = vector.broadcast %div3A_60 : f32 to vector<1024x1xf32>
    %div3A_62 = arith.divf %broadcast_in_dim3A, %div3A_61 : vector<1024x1xf32>
    %sub3A = vector.broadcast %div3A_62 : vector<1024x1xf32> to vector<1024x128xf32>
    %sub3A_63 = arith.subf %add3A_58, %sub3A : vector<1024x128xf32>
    %integer_pow3A = arith.mulf %sub3A_63, %sub3A_63 : vector<1024x128xf32>
    %reduce_sum3A_64 = arith.constant dense<0.000000e+00> : vector<1024xf32>
    %reduce_sum3A_65 = vector.multi_reduction <add>, %integer_pow3A, %reduce_sum3A_64 [1] : vector<1024x128xf32> to vector<1024xf32>
    %broadcast_in_dim3A_66 = vector.shape_cast %reduce_sum3A_65 : vector<1024xf32> to vector<1024x1xf32>
    %div3A_67 = arith.constant 1.280000e+02 : f32
    %div3A_68 = vector.broadcast %div3A_67 : f32 to vector<1024x1xf32>
    %div3A_69 = arith.divf %broadcast_in_dim3A_66, %div3A_68 : vector<1024x1xf32>
    %sub3A_70 = vector.broadcast %div3A_62 : vector<1024x1xf32> to vector<1024x128xf32>
    %sub3A_71 = arith.subf %add3A_58, %sub3A_70 : vector<1024x128xf32>
    %add3A_72 = arith.constant 9.99999974E-6 : f32
    %add3A_73 = vector.broadcast %add3A_72 : f32 to vector<1024x1xf32>
    %add3A_74 = arith.addf %div3A_69, %add3A_73 : vector<1024x1xf32>
    %sqrt3A = math.sqrt %add3A_74 : vector<1024x1xf32>
    %div3A_75 = vector.broadcast %sqrt3A : vector<1024x1xf32> to vector<1024x128xf32>
    %div3A_76 = arith.divf %sub3A_71, %div3A_75 : vector<1024x128xf32>
    %slice3A_77 = vector.extract_strided_slice %get3A_38 {offsets = [0, 0], sizes = [1, 128], strides = [1, 1]} : vector<3x128xf32> to vector<1x128xf32>
    %mul3A = vector.broadcast %slice3A_77 : vector<1x128xf32> to vector<1024x128xf32>
    %mul3A_78 = arith.mulf %div3A_76, %mul3A : vector<1024x128xf32>
    %slice3A_79 = vector.extract_strided_slice %get3A_41 {offsets = [0, 0], sizes = [1, 128], strides = [1, 1]} : vector<3x128xf32> to vector<1x128xf32>
    %add3A_80 = vector.broadcast %slice3A_79 : vector<1x128xf32> to vector<1024x128xf32>
    %add3A_81 = arith.addf %mul3A_78, %add3A_80 : vector<1024x128xf32>
    %logistic3A = arith.negf %add3A_81 : vector<1024x128xf32>
    %logistic3A_82 = math.exp %logistic3A : vector<1024x128xf32>
    %logistic3A_83 = arith.constant 1.000000e+00 : f32
    %logistic3A_84 = vector.broadcast %logistic3A_83 : f32 to vector<1024x128xf32>
    %logistic3A_85 = arith.addf %logistic3A_84, %logistic3A_82 : vector<1024x128xf32>
    %logistic3A_86 = arith.divf %logistic3A_84, %logistic3A_85 : vector<1024x128xf32>
    %add3A_87 = arith.addf %slice3A_34, %slice3A_56 : vector<1024x128xf32>
    %reduce_sum3A_88 = arith.constant dense<0.000000e+00> : vector<1024xf32>
    %reduce_sum3A_89 = vector.multi_reduction <add>, %add3A_87, %reduce_sum3A_88 [1] : vector<1024x128xf32> to vector<1024xf32>
    %broadcast_in_dim3A_90 = vector.shape_cast %reduce_sum3A_89 : vector<1024xf32> to vector<1024x1xf32>
    %div3A_91 = arith.constant 1.280000e+02 : f32
    %div3A_92 = vector.broadcast %div3A_91 : f32 to vector<1024x1xf32>
    %div3A_93 = arith.divf %broadcast_in_dim3A_90, %div3A_92 : vector<1024x1xf32>
    %sub3A_94 = vector.broadcast %div3A_93 : vector<1024x1xf32> to vector<1024x128xf32>
    %sub3A_95 = arith.subf %add3A_87, %sub3A_94 : vector<1024x128xf32>
    %integer_pow3A_96 = arith.mulf %sub3A_95, %sub3A_95 : vector<1024x128xf32>
    %reduce_sum3A_97 = arith.constant dense<0.000000e+00> : vector<1024xf32>
    %reduce_sum3A_98 = vector.multi_reduction <add>, %integer_pow3A_96, %reduce_sum3A_97 [1] : vector<1024x128xf32> to vector<1024xf32>
    %broadcast_in_dim3A_99 = vector.shape_cast %reduce_sum3A_98 : vector<1024xf32> to vector<1024x1xf32>
    %div3A_100 = arith.constant 1.280000e+02 : f32
    %div3A_101 = vector.broadcast %div3A_100 : f32 to vector<1024x1xf32>
    %div3A_102 = arith.divf %broadcast_in_dim3A_99, %div3A_101 : vector<1024x1xf32>
    %sub3A_103 = vector.broadcast %div3A_93 : vector<1024x1xf32> to vector<1024x128xf32>
    %sub3A_104 = arith.subf %add3A_87, %sub3A_103 : vector<1024x128xf32>
    %add3A_105 = arith.constant 9.99999974E-6 : f32
    %add3A_106 = vector.broadcast %add3A_105 : f32 to vector<1024x1xf32>
    %add3A_107 = arith.addf %div3A_102, %add3A_106 : vector<1024x1xf32>
    %sqrt3A_108 = math.sqrt %add3A_107 : vector<1024x1xf32>
    %div3A_109 = vector.broadcast %sqrt3A_108 : vector<1024x1xf32> to vector<1024x128xf32>
    %div3A_110 = arith.divf %sub3A_104, %div3A_109 : vector<1024x128xf32>
    %slice3A_111 = vector.extract_strided_slice %get3A_38 {offsets = [1, 0], sizes = [1, 128], strides = [1, 1]} : vector<3x128xf32> to vector<1x128xf32>
    %mul3A_112 = vector.broadcast %slice3A_111 : vector<1x128xf32> to vector<1024x128xf32>
    %mul3A_113 = arith.mulf %div3A_110, %mul3A_112 : vector<1024x128xf32>
    %slice3A_114 = vector.extract_strided_slice %get3A_41 {offsets = [1, 0], sizes = [1, 128], strides = [1, 1]} : vector<3x128xf32> to vector<1x128xf32>
    %add3A_115 = vector.broadcast %slice3A_114 : vector<1x128xf32> to vector<1024x128xf32>
    %add3A_116 = arith.addf %mul3A_113, %add3A_115 : vector<1024x128xf32>
    %logistic3A_117 = arith.negf %add3A_116 : vector<1024x128xf32>
    %logistic3A_118 = math.exp %logistic3A_117 : vector<1024x128xf32>
    %logistic3A_119 = arith.constant 1.000000e+00 : f32
    %logistic3A_120 = vector.broadcast %logistic3A_119 : f32 to vector<1024x128xf32>
    %logistic3A_121 = arith.addf %logistic3A_120, %logistic3A_118 : vector<1024x128xf32>
    %logistic3A_122 = arith.divf %logistic3A_120, %logistic3A_121 : vector<1024x128xf32>
    %mul3A_123 = arith.mulf %logistic3A_86, %slice3A_57 : vector<1024x128xf32>
    %add3A_124 = arith.addf %slice3A_35, %mul3A_123 : vector<1024x128xf32>
    %reduce_sum3A_125 = arith.constant dense<0.000000e+00> : vector<1024xf32>
    %reduce_sum3A_126 = vector.multi_reduction <add>, %add3A_124, %reduce_sum3A_125 [1] : vector<1024x128xf32> to vector<1024xf32>
    %broadcast_in_dim3A_127 = vector.shape_cast %reduce_sum3A_126 : vector<1024xf32> to vector<1024x1xf32>
    %div3A_128 = arith.constant 1.280000e+02 : f32
    %div3A_129 = vector.broadcast %div3A_128 : f32 to vector<1024x1xf32>
    %div3A_130 = arith.divf %broadcast_in_dim3A_127, %div3A_129 : vector<1024x1xf32>
    %sub3A_131 = vector.broadcast %div3A_130 : vector<1024x1xf32> to vector<1024x128xf32>
    %sub3A_132 = arith.subf %add3A_124, %sub3A_131 : vector<1024x128xf32>
    %integer_pow3A_133 = arith.mulf %sub3A_132, %sub3A_132 : vector<1024x128xf32>
    %reduce_sum3A_134 = arith.constant dense<0.000000e+00> : vector<1024xf32>
    %reduce_sum3A_135 = vector.multi_reduction <add>, %integer_pow3A_133, %reduce_sum3A_134 [1] : vector<1024x128xf32> to vector<1024xf32>
    %broadcast_in_dim3A_136 = vector.shape_cast %reduce_sum3A_135 : vector<1024xf32> to vector<1024x1xf32>
    %div3A_137 = arith.constant 1.280000e+02 : f32
    %div3A_138 = vector.broadcast %div3A_137 : f32 to vector<1024x1xf32>
    %div3A_139 = arith.divf %broadcast_in_dim3A_136, %div3A_138 : vector<1024x1xf32>
    %sub3A_140 = vector.broadcast %div3A_130 : vector<1024x1xf32> to vector<1024x128xf32>
    %sub3A_141 = arith.subf %add3A_124, %sub3A_140 : vector<1024x128xf32>
    %add3A_142 = arith.constant 9.99999974E-6 : f32
    %add3A_143 = vector.broadcast %add3A_142 : f32 to vector<1024x1xf32>
    %add3A_144 = arith.addf %div3A_139, %add3A_143 : vector<1024x1xf32>
    %sqrt3A_145 = math.sqrt %add3A_144 : vector<1024x1xf32>
    %div3A_146 = vector.broadcast %sqrt3A_145 : vector<1024x1xf32> to vector<1024x128xf32>
    %div3A_147 = arith.divf %sub3A_141, %div3A_146 : vector<1024x128xf32>
    %slice3A_148 = vector.extract_strided_slice %get3A_38 {offsets = [2, 0], sizes = [1, 128], strides = [1, 1]} : vector<3x128xf32> to vector<1x128xf32>
    %mul3A_149 = vector.broadcast %slice3A_148 : vector<1x128xf32> to vector<1024x128xf32>
    %mul3A_150 = arith.mulf %div3A_147, %mul3A_149 : vector<1024x128xf32>
    %slice3A_151 = vector.extract_strided_slice %get3A_41 {offsets = [2, 0], sizes = [1, 128], strides = [1, 1]} : vector<3x128xf32> to vector<1x128xf32>
    %add3A_152 = vector.broadcast %slice3A_151 : vector<1x128xf32> to vector<1024x128xf32>
    %add3A_153 = arith.addf %mul3A_150, %add3A_152 : vector<1024x128xf32>
    %tanh3A = math.tanh %add3A_153 : vector<1024x128xf32>
    %sub3A_154 = arith.subf %get3A_44, %tanh3A : vector<1024x128xf32>
    %mul3A_155 = arith.mulf %logistic3A_122, %sub3A_154 : vector<1024x128xf32>
    %add3A_156 = arith.addf %tanh3A, %mul3A_155 : vector<1024x128xf32>
    %get3A_157 = arith.constant 0 : index
    %get3A_158 = arith.constant 0 : index
    %get3A_159 = vector.load %arg10[%get3A_157, %get3A_158] : memref<128x384xf32, #tpu.memory_space<vmem>>, vector<128x384xf32>
    %dot_general3A_160 = arith.constant dense<0.000000e+00> : vector<1024x384xf32>
    %dot_general3A_161 = tpu.matmul %add3A_156, %get3A_159, %dot_general3A_160 {dimension_numbers = #tpu.dot_dimension_numbers<[1], [0], [0], [1], [0, 0, 1, 1], [], []>, transpose_lhs_hint = false} : vector<1024x128xf32>, vector<128x384xf32>, vector<1024x384xf32> -> vector<1024x384xf32>
    %get3A_162 = arith.constant 0 : index
    %get3A_163 = arith.constant 0 : index
    %get3A_164 = vector.load %arg11[%get3A_162, %get3A_163] : memref<1x384xf32, #tpu.memory_space<vmem>>, vector<1x384xf32>
    %add3A_165 = vector.broadcast %get3A_164 : vector<1x384xf32> to vector<1024x384xf32>
    %add3A_166 = arith.addf %dot_general3A_161, %add3A_165 : vector<1024x384xf32>
    %slice3A_167 = vector.extract_strided_slice %add3A_166 {offsets = [0, 0], sizes = [1024, 128], strides = [1, 1]} : vector<1024x384xf32> to vector<1024x128xf32>
    %slice3A_168 = vector.extract_strided_slice %add3A_166 {offsets = [0, 128], sizes = [1024, 128], strides = [1, 1]} : vector<1024x384xf32> to vector<1024x128xf32>
    %slice3A_169 = vector.extract_strided_slice %add3A_166 {offsets = [0, 256], sizes = [1024, 128], strides = [1, 1]} : vector<1024x384xf32> to vector<1024x128xf32>
    %add3A_170 = arith.addf %slice3A, %slice3A_167 : vector<1024x128xf32>
    %reduce_sum3A_171 = arith.constant dense<0.000000e+00> : vector<1024xf32>
    %reduce_sum3A_172 = vector.multi_reduction <add>, %add3A_170, %reduce_sum3A_171 [1] : vector<1024x128xf32> to vector<1024xf32>
    %broadcast_in_dim3A_173 = vector.shape_cast %reduce_sum3A_172 : vector<1024xf32> to vector<1024x1xf32>
    %div3A_174 = arith.constant 1.280000e+02 : f32
    %div3A_175 = vector.broadcast %div3A_174 : f32 to vector<1024x1xf32>
    %div3A_176 = arith.divf %broadcast_in_dim3A_173, %div3A_175 : vector<1024x1xf32>
    %sub3A_177 = vector.broadcast %div3A_176 : vector<1024x1xf32> to vector<1024x128xf32>
    %sub3A_178 = arith.subf %add3A_170, %sub3A_177 : vector<1024x128xf32>
    %integer_pow3A_179 = arith.mulf %sub3A_178, %sub3A_178 : vector<1024x128xf32>
    %reduce_sum3A_180 = arith.constant dense<0.000000e+00> : vector<1024xf32>
    %reduce_sum3A_181 = vector.multi_reduction <add>, %integer_pow3A_179, %reduce_sum3A_180 [1] : vector<1024x128xf32> to vector<1024xf32>
    %broadcast_in_dim3A_182 = vector.shape_cast %reduce_sum3A_181 : vector<1024xf32> to vector<1024x1xf32>
    %div3A_183 = arith.constant 1.280000e+02 : f32
    %div3A_184 = vector.broadcast %div3A_183 : f32 to vector<1024x1xf32>
    %div3A_185 = arith.divf %broadcast_in_dim3A_182, %div3A_184 : vector<1024x1xf32>
    %sub3A_186 = vector.broadcast %div3A_176 : vector<1024x1xf32> to vector<1024x128xf32>
    %sub3A_187 = arith.subf %add3A_170, %sub3A_186 : vector<1024x128xf32>
    %add3A_188 = arith.constant 9.99999974E-6 : f32
    %add3A_189 = vector.broadcast %add3A_188 : f32 to vector<1024x1xf32>
    %add3A_190 = arith.addf %div3A_185, %add3A_189 : vector<1024x1xf32>
    %sqrt3A_191 = math.sqrt %add3A_190 : vector<1024x1xf32>
    %div3A_192 = vector.broadcast %sqrt3A_191 : vector<1024x1xf32> to vector<1024x128xf32>
    %div3A_193 = arith.divf %sub3A_187, %div3A_192 : vector<1024x128xf32>
    %slice3A_194 = vector.extract_strided_slice %get3A_38 {offsets = [0, 0], sizes = [1, 128], strides = [1, 1]} : vector<3x128xf32> to vector<1x128xf32>
    %mul3A_195 = vector.broadcast %slice3A_194 : vector<1x128xf32> to vector<1024x128xf32>
    %mul3A_196 = arith.mulf %div3A_193, %mul3A_195 : vector<1024x128xf32>
    %slice3A_197 = vector.extract_strided_slice %get3A_41 {offsets = [0, 0], sizes = [1, 128], strides = [1, 1]} : vector<3x128xf32> to vector<1x128xf32>
    %add3A_198 = vector.broadcast %slice3A_197 : vector<1x128xf32> to vector<1024x128xf32>
    %add3A_199 = arith.addf %mul3A_196, %add3A_198 : vector<1024x128xf32>
    %logistic3A_200 = arith.negf %add3A_199 : vector<1024x128xf32>
    %logistic3A_201 = math.exp %logistic3A_200 : vector<1024x128xf32>
    %logistic3A_202 = arith.constant 1.000000e+00 : f32
    %logistic3A_203 = vector.broadcast %logistic3A_202 : f32 to vector<1024x128xf32>
    %logistic3A_204 = arith.addf %logistic3A_203, %logistic3A_201 : vector<1024x128xf32>
    %logistic3A_205 = arith.divf %logistic3A_203, %logistic3A_204 : vector<1024x128xf32>
    %add3A_206 = arith.addf %slice3A_34, %slice3A_168 : vector<1024x128xf32>
    %reduce_sum3A_207 = arith.constant dense<0.000000e+00> : vector<1024xf32>
    %reduce_sum3A_208 = vector.multi_reduction <add>, %add3A_206, %reduce_sum3A_207 [1] : vector<1024x128xf32> to vector<1024xf32>
    %broadcast_in_dim3A_209 = vector.shape_cast %reduce_sum3A_208 : vector<1024xf32> to vector<1024x1xf32>
    %div3A_210 = arith.constant 1.280000e+02 : f32
    %div3A_211 = vector.broadcast %div3A_210 : f32 to vector<1024x1xf32>
    %div3A_212 = arith.divf %broadcast_in_dim3A_209, %div3A_211 : vector<1024x1xf32>
    %sub3A_213 = vector.broadcast %div3A_212 : vector<1024x1xf32> to vector<1024x128xf32>
    %sub3A_214 = arith.subf %add3A_206, %sub3A_213 : vector<1024x128xf32>
    %integer_pow3A_215 = arith.mulf %sub3A_214, %sub3A_214 : vector<1024x128xf32>
    %reduce_sum3A_216 = arith.constant dense<0.000000e+00> : vector<1024xf32>
    %reduce_sum3A_217 = vector.multi_reduction <add>, %integer_pow3A_215, %reduce_sum3A_216 [1] : vector<1024x128xf32> to vector<1024xf32>
    %broadcast_in_dim3A_218 = vector.shape_cast %reduce_sum3A_217 : vector<1024xf32> to vector<1024x1xf32>
    %div3A_219 = arith.constant 1.280000e+02 : f32
    %div3A_220 = vector.broadcast %div3A_219 : f32 to vector<1024x1xf32>
    %div3A_221 = arith.divf %broadcast_in_dim3A_218, %div3A_220 : vector<1024x1xf32>
    %sub3A_222 = vector.broadcast %div3A_212 : vector<1024x1xf32> to vector<1024x128xf32>
    %sub3A_223 = arith.subf %add3A_206, %sub3A_222 : vector<1024x128xf32>
    %add3A_224 = arith.constant 9.99999974E-6 : f32
    %add3A_225 = vector.broadcast %add3A_224 : f32 to vector<1024x1xf32>
    %add3A_226 = arith.addf %div3A_221, %add3A_225 : vector<1024x1xf32>
    %sqrt3A_227 = math.sqrt %add3A_226 : vector<1024x1xf32>
    %div3A_228 = vector.broadcast %sqrt3A_227 : vector<1024x1xf32> to vector<1024x128xf32>
    %div3A_229 = arith.divf %sub3A_223, %div3A_228 : vector<1024x128xf32>
    %slice3A_230 = vector.extract_strided_slice %get3A_38 {offsets = [1, 0], sizes = [1, 128], strides = [1, 1]} : vector<3x128xf32> to vector<1x128xf32>
    %mul3A_231 = vector.broadcast %slice3A_230 : vector<1x128xf32> to vector<1024x128xf32>
    %mul3A_232 = arith.mulf %div3A_229, %mul3A_231 : vector<1024x128xf32>
    %slice3A_233 = vector.extract_strided_slice %get3A_41 {offsets = [1, 0], sizes = [1, 128], strides = [1, 1]} : vector<3x128xf32> to vector<1x128xf32>
    %add3A_234 = vector.broadcast %slice3A_233 : vector<1x128xf32> to vector<1024x128xf32>
    %add3A_235 = arith.addf %mul3A_232, %add3A_234 : vector<1024x128xf32>
    %logistic3A_236 = arith.negf %add3A_235 : vector<1024x128xf32>
    %logistic3A_237 = math.exp %logistic3A_236 : vector<1024x128xf32>
    %logistic3A_238 = arith.constant 1.000000e+00 : f32
    %logistic3A_239 = vector.broadcast %logistic3A_238 : f32 to vector<1024x128xf32>
    %logistic3A_240 = arith.addf %logistic3A_239, %logistic3A_237 : vector<1024x128xf32>
    %logistic3A_241 = arith.divf %logistic3A_239, %logistic3A_240 : vector<1024x128xf32>
    %mul3A_242 = arith.mulf %logistic3A_205, %slice3A_169 : vector<1024x128xf32>
    %add3A_243 = arith.addf %slice3A_35, %mul3A_242 : vector<1024x128xf32>
    %reduce_sum3A_244 = arith.constant dense<0.000000e+00> : vector<1024xf32>
    %reduce_sum3A_245 = vector.multi_reduction <add>, %add3A_243, %reduce_sum3A_244 [1] : vector<1024x128xf32> to vector<1024xf32>
    %broadcast_in_dim3A_246 = vector.shape_cast %reduce_sum3A_245 : vector<1024xf32> to vector<1024x1xf32>
    %div3A_247 = arith.constant 1.280000e+02 : f32
    %div3A_248 = vector.broadcast %div3A_247 : f32 to vector<1024x1xf32>
    %div3A_249 = arith.divf %broadcast_in_dim3A_246, %div3A_248 : vector<1024x1xf32>
    %sub3A_250 = vector.broadcast %div3A_249 : vector<1024x1xf32> to vector<1024x128xf32>
    %sub3A_251 = arith.subf %add3A_243, %sub3A_250 : vector<1024x128xf32>
    %integer_pow3A_252 = arith.mulf %sub3A_251, %sub3A_251 : vector<1024x128xf32>
    %reduce_sum3A_253 = arith.constant dense<0.000000e+00> : vector<1024xf32>
    %reduce_sum3A_254 = vector.multi_reduction <add>, %integer_pow3A_252, %reduce_sum3A_253 [1] : vector<1024x128xf32> to vector<1024xf32>
    %broadcast_in_dim3A_255 = vector.shape_cast %reduce_sum3A_254 : vector<1024xf32> to vector<1024x1xf32>
    %div3A_256 = arith.constant 1.280000e+02 : f32
    %div3A_257 = vector.broadcast %div3A_256 : f32 to vector<1024x1xf32>
    %div3A_258 = arith.divf %broadcast_in_dim3A_255, %div3A_257 : vector<1024x1xf32>
    %sub3A_259 = vector.broadcast %div3A_249 : vector<1024x1xf32> to vector<1024x128xf32>
    %sub3A_260 = arith.subf %add3A_243, %sub3A_259 : vector<1024x128xf32>
    %add3A_261 = arith.constant 9.99999974E-6 : f32
    %add3A_262 = vector.broadcast %add3A_261 : f32 to vector<1024x1xf32>
    %add3A_263 = arith.addf %div3A_258, %add3A_262 : vector<1024x1xf32>
    %sqrt3A_264 = math.sqrt %add3A_263 : vector<1024x1xf32>
    %div3A_265 = vector.broadcast %sqrt3A_264 : vector<1024x1xf32> to vector<1024x128xf32>
    %div3A_266 = arith.divf %sub3A_260, %div3A_265 : vector<1024x128xf32>
    %slice3A_267 = vector.extract_strided_slice %get3A_38 {offsets = [2, 0], sizes = [1, 128], strides = [1, 1]} : vector<3x128xf32> to vector<1x128xf32>
    %mul3A_268 = vector.broadcast %slice3A_267 : vector<1x128xf32> to vector<1024x128xf32>
    %mul3A_269 = arith.mulf %div3A_266, %mul3A_268 : vector<1024x128xf32>
    %slice3A_270 = vector.extract_strided_slice %get3A_41 {offsets = [2, 0], sizes = [1, 128], strides = [1, 1]} : vector<3x128xf32> to vector<1x128xf32>
    %add3A_271 = vector.broadcast %slice3A_270 : vector<1x128xf32> to vector<1024x128xf32>
    %add3A_272 = arith.addf %mul3A_269, %add3A_271 : vector<1024x128xf32>
    %tanh3A_273 = math.tanh %add3A_272 : vector<1024x128xf32>
    %sub3A_274 = arith.subf %add3A_156, %tanh3A_273 : vector<1024x128xf32>
    %mul3A_275 = arith.mulf %logistic3A_241, %sub3A_274 : vector<1024x128xf32>
    %add3A_276 = arith.addf %tanh3A_273, %mul3A_275 : vector<1024x128xf32>
    %get3A_277 = arith.constant 0 : index
    %get3A_278 = arith.constant 0 : index
    %get3A_279 = vector.load %arg10[%get3A_277, %get3A_278] : memref<128x384xf32, #tpu.memory_space<vmem>>, vector<128x384xf32>
    %dot_general3A_280 = arith.constant dense<0.000000e+00> : vector<1024x384xf32>
    %dot_general3A_281 = tpu.matmul %add3A_276, %get3A_279, %dot_general3A_280 {dimension_numbers = #tpu.dot_dimension_numbers<[1], [0], [0], [1], [0, 0, 1, 1], [], []>, transpose_lhs_hint = false} : vector<1024x128xf32>, vector<128x384xf32>, vector<1024x384xf32> -> vector<1024x384xf32>
    %get3A_282 = arith.constant 0 : index
    %get3A_283 = arith.constant 0 : index
    %get3A_284 = vector.load %arg11[%get3A_282, %get3A_283] : memref<1x384xf32, #tpu.memory_space<vmem>>, vector<1x384xf32>
    %add3A_285 = vector.broadcast %get3A_284 : vector<1x384xf32> to vector<1024x384xf32>
    %add3A_286 = arith.addf %dot_general3A_281, %add3A_285 : vector<1024x384xf32>
    %slice3A_287 = vector.extract_strided_slice %add3A_286 {offsets = [0, 0], sizes = [1024, 128], strides = [1, 1]} : vector<1024x384xf32> to vector<1024x128xf32>
    %slice3A_288 = vector.extract_strided_slice %add3A_286 {offsets = [0, 128], sizes = [1024, 128], strides = [1, 1]} : vector<1024x384xf32> to vector<1024x128xf32>
    %slice3A_289 = vector.extract_strided_slice %add3A_286 {offsets = [0, 256], sizes = [1024, 128], strides = [1, 1]} : vector<1024x384xf32> to vector<1024x128xf32>
    %add3A_290 = arith.addf %slice3A, %slice3A_287 : vector<1024x128xf32>
    %reduce_sum3A_291 = arith.constant dense<0.000000e+00> : vector<1024xf32>
    %reduce_sum3A_292 = vector.multi_reduction <add>, %add3A_290, %reduce_sum3A_291 [1] : vector<1024x128xf32> to vector<1024xf32>
    %broadcast_in_dim3A_293 = vector.shape_cast %reduce_sum3A_292 : vector<1024xf32> to vector<1024x1xf32>
    %div3A_294 = arith.constant 1.280000e+02 : f32
    %div3A_295 = vector.broadcast %div3A_294 : f32 to vector<1024x1xf32>
    %div3A_296 = arith.divf %broadcast_in_dim3A_293, %div3A_295 : vector<1024x1xf32>
    %sub3A_297 = vector.broadcast %div3A_296 : vector<1024x1xf32> to vector<1024x128xf32>
    %sub3A_298 = arith.subf %add3A_290, %sub3A_297 : vector<1024x128xf32>
    %integer_pow3A_299 = arith.mulf %sub3A_298, %sub3A_298 : vector<1024x128xf32>
    %reduce_sum3A_300 = arith.constant dense<0.000000e+00> : vector<1024xf32>
    %reduce_sum3A_301 = vector.multi_reduction <add>, %integer_pow3A_299, %reduce_sum3A_300 [1] : vector<1024x128xf32> to vector<1024xf32>
    %broadcast_in_dim3A_302 = vector.shape_cast %reduce_sum3A_301 : vector<1024xf32> to vector<1024x1xf32>
    %div3A_303 = arith.constant 1.280000e+02 : f32
    %div3A_304 = vector.broadcast %div3A_303 : f32 to vector<1024x1xf32>
    %div3A_305 = arith.divf %broadcast_in_dim3A_302, %div3A_304 : vector<1024x1xf32>
    %sub3A_306 = vector.broadcast %div3A_296 : vector<1024x1xf32> to vector<1024x128xf32>
    %sub3A_307 = arith.subf %add3A_290, %sub3A_306 : vector<1024x128xf32>
    %add3A_308 = arith.constant 9.99999974E-6 : f32
    %add3A_309 = vector.broadcast %add3A_308 : f32 to vector<1024x1xf32>
    %add3A_310 = arith.addf %div3A_305, %add3A_309 : vector<1024x1xf32>
    %sqrt3A_311 = math.sqrt %add3A_310 : vector<1024x1xf32>
    %div3A_312 = vector.broadcast %sqrt3A_311 : vector<1024x1xf32> to vector<1024x128xf32>
    %div3A_313 = arith.divf %sub3A_307, %div3A_312 : vector<1024x128xf32>
    %slice3A_314 = vector.extract_strided_slice %get3A_38 {offsets = [0, 0], sizes = [1, 128], strides = [1, 1]} : vector<3x128xf32> to vector<1x128xf32>
    %mul3A_315 = vector.broadcast %slice3A_314 : vector<1x128xf32> to vector<1024x128xf32>
    %mul3A_316 = arith.mulf %div3A_313, %mul3A_315 : vector<1024x128xf32>
    %slice3A_317 = vector.extract_strided_slice %get3A_41 {offsets = [0, 0], sizes = [1, 128], strides = [1, 1]} : vector<3x128xf32> to vector<1x128xf32>
    %add3A_318 = vector.broadcast %slice3A_317 : vector<1x128xf32> to vector<1024x128xf32>
    %add3A_319 = arith.addf %mul3A_316, %add3A_318 : vector<1024x128xf32>
    %logistic3A_320 = arith.negf %add3A_319 : vector<1024x128xf32>
    %logistic3A_321 = math.exp %logistic3A_320 : vector<1024x128xf32>
    %logistic3A_322 = arith.constant 1.000000e+00 : f32
    %logistic3A_323 = vector.broadcast %logistic3A_322 : f32 to vector<1024x128xf32>
    %logistic3A_324 = arith.addf %logistic3A_323, %logistic3A_321 : vector<1024x128xf32>
    %logistic3A_325 = arith.divf %logistic3A_323, %logistic3A_324 : vector<1024x128xf32>
    %add3A_326 = arith.addf %slice3A_34, %slice3A_288 : vector<1024x128xf32>
    %reduce_sum3A_327 = arith.constant dense<0.000000e+00> : vector<1024xf32>
    %reduce_sum3A_328 = vector.multi_reduction <add>, %add3A_326, %reduce_sum3A_327 [1] : vector<1024x128xf32> to vector<1024xf32>
    %broadcast_in_dim3A_329 = vector.shape_cast %reduce_sum3A_328 : vector<1024xf32> to vector<1024x1xf32>
    %div3A_330 = arith.constant 1.280000e+02 : f32
    %div3A_331 = vector.broadcast %div3A_330 : f32 to vector<1024x1xf32>
    %div3A_332 = arith.divf %broadcast_in_dim3A_329, %div3A_331 : vector<1024x1xf32>
    %sub3A_333 = vector.broadcast %div3A_332 : vector<1024x1xf32> to vector<1024x128xf32>
    %sub3A_334 = arith.subf %add3A_326, %sub3A_333 : vector<1024x128xf32>
    %integer_pow3A_335 = arith.mulf %sub3A_334, %sub3A_334 : vector<1024x128xf32>
    %reduce_sum3A_336 = arith.constant dense<0.000000e+00> : vector<1024xf32>
    %reduce_sum3A_337 = vector.multi_reduction <add>, %integer_pow3A_335, %reduce_sum3A_336 [1] : vector<1024x128xf32> to vector<1024xf32>
    %broadcast_in_dim3A_338 = vector.shape_cast %reduce_sum3A_337 : vector<1024xf32> to vector<1024x1xf32>
    %div3A_339 = arith.constant 1.280000e+02 : f32
    %div3A_340 = vector.broadcast %div3A_339 : f32 to vector<1024x1xf32>
    %div3A_341 = arith.divf %broadcast_in_dim3A_338, %div3A_340 : vector<1024x1xf32>
    %sub3A_342 = vector.broadcast %div3A_332 : vector<1024x1xf32> to vector<1024x128xf32>
    %sub3A_343 = arith.subf %add3A_326, %sub3A_342 : vector<1024x128xf32>
    %add3A_344 = arith.constant 9.99999974E-6 : f32
    %add3A_345 = vector.broadcast %add3A_344 : f32 to vector<1024x1xf32>
    %add3A_346 = arith.addf %div3A_341, %add3A_345 : vector<1024x1xf32>
    %sqrt3A_347 = math.sqrt %add3A_346 : vector<1024x1xf32>
    %div3A_348 = vector.broadcast %sqrt3A_347 : vector<1024x1xf32> to vector<1024x128xf32>
    %div3A_349 = arith.divf %sub3A_343, %div3A_348 : vector<1024x128xf32>
    %slice3A_350 = vector.extract_strided_slice %get3A_38 {offsets = [1, 0], sizes = [1, 128], strides = [1, 1]} : vector<3x128xf32> to vector<1x128xf32>
    %mul3A_351 = vector.broadcast %slice3A_350 : vector<1x128xf32> to vector<1024x128xf32>
    %mul3A_352 = arith.mulf %div3A_349, %mul3A_351 : vector<1024x128xf32>
    %slice3A_353 = vector.extract_strided_slice %get3A_41 {offsets = [1, 0], sizes = [1, 128], strides = [1, 1]} : vector<3x128xf32> to vector<1x128xf32>
    %add3A_354 = vector.broadcast %slice3A_353 : vector<1x128xf32> to vector<1024x128xf32>
    %add3A_355 = arith.addf %mul3A_352, %add3A_354 : vector<1024x128xf32>
    %logistic3A_356 = arith.negf %add3A_355 : vector<1024x128xf32>
    %logistic3A_357 = math.exp %logistic3A_356 : vector<1024x128xf32>
    %logistic3A_358 = arith.constant 1.000000e+00 : f32
    %logistic3A_359 = vector.broadcast %logistic3A_358 : f32 to vector<1024x128xf32>
    %logistic3A_360 = arith.addf %logistic3A_359, %logistic3A_357 : vector<1024x128xf32>
    %logistic3A_361 = arith.divf %logistic3A_359, %logistic3A_360 : vector<1024x128xf32>
    %mul3A_362 = arith.mulf %logistic3A_325, %slice3A_289 : vector<1024x128xf32>
    %add3A_363 = arith.addf %slice3A_35, %mul3A_362 : vector<1024x128xf32>
    %reduce_sum3A_364 = arith.constant dense<0.000000e+00> : vector<1024xf32>
    %reduce_sum3A_365 = vector.multi_reduction <add>, %add3A_363, %reduce_sum3A_364 [1] : vector<1024x128xf32> to vector<1024xf32>
    %broadcast_in_dim3A_366 = vector.shape_cast %reduce_sum3A_365 : vector<1024xf32> to vector<1024x1xf32>
    %div3A_367 = arith.constant 1.280000e+02 : f32
    %div3A_368 = vector.broadcast %div3A_367 : f32 to vector<1024x1xf32>
    %div3A_369 = arith.divf %broadcast_in_dim3A_366, %div3A_368 : vector<1024x1xf32>
    %sub3A_370 = vector.broadcast %div3A_369 : vector<1024x1xf32> to vector<1024x128xf32>
    %sub3A_371 = arith.subf %add3A_363, %sub3A_370 : vector<1024x128xf32>
    %integer_pow3A_372 = arith.mulf %sub3A_371, %sub3A_371 : vector<1024x128xf32>
    %reduce_sum3A_373 = arith.constant dense<0.000000e+00> : vector<1024xf32>
    %reduce_sum3A_374 = vector.multi_reduction <add>, %integer_pow3A_372, %reduce_sum3A_373 [1] : vector<1024x128xf32> to vector<1024xf32>
    %broadcast_in_dim3A_375 = vector.shape_cast %reduce_sum3A_374 : vector<1024xf32> to vector<1024x1xf32>
    %div3A_376 = arith.constant 1.280000e+02 : f32
    %div3A_377 = vector.broadcast %div3A_376 : f32 to vector<1024x1xf32>
    %div3A_378 = arith.divf %broadcast_in_dim3A_375, %div3A_377 : vector<1024x1xf32>
    %sub3A_379 = vector.broadcast %div3A_369 : vector<1024x1xf32> to vector<1024x128xf32>
    %sub3A_380 = arith.subf %add3A_363, %sub3A_379 : vector<1024x128xf32>
    %add3A_381 = arith.constant 9.99999974E-6 : f32
    %add3A_382 = vector.broadcast %add3A_381 : f32 to vector<1024x1xf32>
    %add3A_383 = arith.addf %div3A_378, %add3A_382 : vector<1024x1xf32>
    %sqrt3A_384 = math.sqrt %add3A_383 : vector<1024x1xf32>
    %div3A_385 = vector.broadcast %sqrt3A_384 : vector<1024x1xf32> to vector<1024x128xf32>
    %div3A_386 = arith.divf %sub3A_380, %div3A_385 : vector<1024x128xf32>
    %slice3A_387 = vector.extract_strided_slice %get3A_38 {offsets = [2, 0], sizes = [1, 128], strides = [1, 1]} : vector<3x128xf32> to vector<1x128xf32>
    %mul3A_388 = vector.broadcast %slice3A_387 : vector<1x128xf32> to vector<1024x128xf32>
    %mul3A_389 = arith.mulf %div3A_386, %mul3A_388 : vector<1024x128xf32>
    %slice3A_390 = vector.extract_strided_slice %get3A_41 {offsets = [2, 0], sizes = [1, 128], strides = [1, 1]} : vector<3x128xf32> to vector<1x128xf32>
    %add3A_391 = vector.broadcast %slice3A_390 : vector<1x128xf32> to vector<1024x128xf32>
    %add3A_392 = arith.addf %mul3A_389, %add3A_391 : vector<1024x128xf32>
    %tanh3A_393 = math.tanh %add3A_392 : vector<1024x128xf32>
    %sub3A_394 = arith.subf %add3A_276, %tanh3A_393 : vector<1024x128xf32>
    %mul3A_395 = arith.mulf %logistic3A_361, %sub3A_394 : vector<1024x128xf32>
    %add3A_396 = arith.addf %tanh3A_393, %mul3A_395 : vector<1024x128xf32>
    %max3A_397 = arith.constant 0.000000e+00 : f32
    %max3A_398 = vector.broadcast %max3A_397 : f32 to vector<1024x128xf32>
    %max3A_399 = arith.maximumf %add3A_396, %max3A_398 : vector<1024x128xf32>
    %swap3A = arith.constant 0 : index
    %swap3A_400 = arith.constant 0 : index
    %swap3A_401 = vector.load %arg14[%swap3A, %swap3A_400] : memref<1024x128xf32, #tpu.memory_space<vmem>>, vector<1024x128xf32>
    tpu.vector_store %arg14[%swap3A, %swap3A_400], %max3A_399 {strides = array<i32>} : memref<1024x128xf32, #tpu.memory_space<vmem>>, vector<1024x128xf32>,
    return
  }
  func.func @transform_0(%arg0: i32) -> (i32, i32) {
    %c0_i32 = arith.constant 0 : i32
    %c0_i32_0 = arith.constant 0 : i32
    return %arg0, %c0_i32 : i32, i32
  }
  func.func @transform_1(%arg0: i32) -> (i32, i32) {
    %c0_i32 = arith.constant 0 : i32
    %c0_i32_0 = arith.constant 0 : i32
    return %arg0, %c0_i32 : i32, i32
  }
  func.func @transform_2(%arg0: i32) -> (i32, i32) {
    %c0_i32 = arith.constant 0 : i32
    %c0_i32_0 = arith.constant 0 : i32
    return %arg0, %c0_i32 : i32, i32
  }
  func.func @transform_3(%arg0: i32) -> (i32, i32) {
    %c0_i32 = arith.constant 0 : i32
    %c0_i32_0 = arith.constant 0 : i32
    return %arg0, %c0_i32 : i32, i32
  }
  func.func @transform_4(%arg0: i32) -> (i32, i32) {
    %c0_i32 = arith.constant 0 : i32
    %c0_i32_0 = arith.constant 0 : i32
    return %arg0, %c0_i32 : i32, i32
  }
  func.func @transform_5(%arg0: i32) -> (i32, i32) {
    %c0_i32 = arith.constant 0 : i32
    %c0_i32_0 = arith.constant 0 : i32
    %c0_i32_1 = arith.constant 0 : i32
    return %c0_i32, %c0_i32_0 : i32, i32
  }
  func.func @transform_6(%arg0: i32) -> (i32, i32) {
    %c0_i32 = arith.constant 0 : i32
    %c0_i32_0 = arith.constant 0 : i32
    %c0_i32_1 = arith.constant 0 : i32
    return %c0_i32, %c0_i32_0 : i32, i32
  }
  func.func @transform_7(%arg0: i32) -> (i32, i32) {
    %c0_i32 = arith.constant 0 : i32
    %c0_i32_0 = arith.constant 0 : i32
    %c0_i32_1 = arith.constant 0 : i32
    return %c0_i32, %c0_i32_0 : i32, i32
  }
  func.func @transform_8(%arg0: i32) -> (i32, i32) {
    %c0_i32 = arith.constant 0 : i32
    %c0_i32_0 = arith.constant 0 : i32
    %c0_i32_1 = arith.constant 0 : i32
    return %c0_i32, %c0_i32_0 : i32, i32
  }
  func.func @transform_9(%arg0: i32) -> (i32, i32) {
    %c0_i32 = arith.constant 0 : i32
    %c0_i32_0 = arith.constant 0 : i32
    %c0_i32_1 = arith.constant 0 : i32
    return %c0_i32, %c0_i32_0 : i32, i32
  }
  func.func @transform_10(%arg0: i32) -> (i32, i32) {
    %c0_i32 = arith.constant 0 : i32
    %c0_i32_0 = arith.constant 0 : i32
    %c0_i32_1 = arith.constant 0 : i32
    return %c0_i32, %c0_i32_0 : i32, i32
  }
  func.func @transform_11(%arg0: i32) -> (i32, i32) {
    %c0_i32 = arith.constant 0 : i32
    %c0_i32_0 = arith.constant 0 : i32
    %c0_i32_1 = arith.constant 0 : i32
    return %c0_i32, %c0_i32_0 : i32, i32
  }
  func.func @transform_12(%arg0: i32) -> (i32, i32) {
    %c0_i32 = arith.constant 0 : i32
    %c0_i32_0 = arith.constant 0 : i32
    %c0_i32_1 = arith.constant 0 : i32
    return %c0_i32, %c0_i32_0 : i32, i32
  }
  func.func @transform_13(%arg0: i32) -> (i32, i32) {
    %c0_i32 = arith.constant 0 : i32
    %c0_i32_0 = arith.constant 0 : i32
    return %arg0, %c0_i32 : i32, i32
  }
}

</mosaic_0001>

<sc_bundles>
// kernel: kernel.5.cloned.1.call-start
scs
__scs_entry_jumppad:
0x0: {  	(pc) =	sbr.rel $0x88, $3  }
0x1: {  	(tag) =	ssettag $0x0;
	lr =	simm.s32 $0x1  }
0x2: {  	[smem:$0x3F91] =	sst lr;
	_ =	strace $0xD0000000  }
0x3: {  	_ = 	snop  }
0x4: {  	_ = 	snop  }
0x5: {  	_ = 	snop  }
0x6: {  	_ = 	snop  }
0x7: {  	_ = 	snop  }
__scs_overlays_trampoline_lowered:
0x8: {  	[smem:$0x3FA0] =	sst s0  }
0x9: {  	[smem:$0x3FA1] =	sst s1  }
0xa: {  	[smem:$0x3FA2] =	sst s2  }
0xb: {  	[smem:$0x3FA3] =	sst s3  }
0xc: {  	[smem:$0x3FA4] =	sst s4  }
0xd: {  	[smem:$0x3FA5] =	sst s5  }
0xe: {  	[smem:$0x3FA6] =	sst s6  }
0xf: {  	[smem:$0x3FA7] =	sst s7  }
0x10: {  	[smem:$0x3FA8] =	sst s8  }
0x11: {  	[smem:$0x3FA9] =	sst s9;
	s0 =	simm.s32 @!p0 $0x0  }
0x12: {  	s1 =	sld [smem:$0x3F8F];
	s0 =	simm.s32 @p0 $0x1  }
0x13: {  	[smem:$0x3FAA] =	sst s0;
	s0 =	simm.s32 @!p1 $0x0  }
0x14: {  	s2 =	sld [smem:$0x3F8E];
	s0 =	simm.s32 @p1 $0x1  }
0x15: {  	[smem:$0x3FAB] =	sst s0;
	s0 =	simm.s32 @!p2 $0x0  }
0x16: {  	s3 =	sld [smem:$0x3FDB];
	s0 =	simm.s32 @p2 $0x1  }
0x17: {  	s4 =	simm.s32 $0x1BF5;
	[smem:$0x3FAD] =	sst s0  }
0x18: {  	s0 =	sld [smem:$0x3F90];
	_ =	swait.ge [sflag:s4], $0x0  }
0x19: {  	s7 =	sld [smem:$0x3F91]  }
0x1a: {  	s8 =	sadd.s32 $0xFFFFE003, lr  }
0x1b: {  	s9 =	sadd.s32 $0xFFFFFEF7, lr;
	s5 =	simm.s32 $0xFFFFFFFF;
	p2 =	slt.u32 s8, $0xFFFFF086  }
0x1c: {  	p1 =	slt.u32 s9, $0xF7A;
	s5 =	simm.s32 @!p2 $0x0  }
0x1d: {  	s5 =	simm.s32 @p1 $0x1;
	p0 =	seq.s32 s7, s2  }
0x1e: {  	s7 =	smul.u32 @!p0 $0xF7A, s2;
	p2 =	seq.s32 @!p0 s5, $0x0  }
0x1f: {  	s9 =	smul.u32 $0xF7A, s1;
	s8 =	simm.s32 @!p0 $0x1BF5;
	p2 =	por !p2, p0  }
0x20: {  	[sflag:s8] =	ssyncset.s32 @!p0 $0xFFFFF086;
	s6 =	sadd.s32 @!p0 s3, s7;
	s7 =	simm.s32 @!p0 $0x108  }
0x21: {  	s3 =	sadd.s32 s3, s9;
	s6 =	sadd.s32 @!p0 $0x88, s6;
	s7 =	simm.s32 @p2 $0x1082  }
0x22: {  	[simem:s7], [sflag:s8] =	dma.local @!p0 [hbm:s6], $0xF7A  }
0x23: {  	s9 =	sor.u32 $0xD0000000, s2;
	s6 =	simm.s32 $0x108;
	_ =	swait.ge @!p0 [sflag:s8], $0x0  }
0x24: {  	s3 =	sadd.s32 $0x88, s3;
	s6 =	simm.s32 @!p1 $0x1082;
	[sflag:s4] =	ssyncset.s32 $0xFFFFF086  }
0x25: {  	[simem:s6], [sflag:s4] =	dma.local [hbm:s3], $0xF7A  }
0x26: {  	[smem:$0x3F91] =	sst s1;
	(tag) =	ssettag s2;
	_ =	strace s9  }
0x27: {  	s1 =	sld [smem:$0x3FA1]  }
0x28: {  	s2 =	sld [smem:$0x3FA2]  }
0x29: {  	s4 =	sld [smem:$0x3FA4]  }
0x2a: {  	p0 =	seq.s32 s5, $0x0;
	s5 =	sld [smem:$0x3FA5]  }
0x2b: {  	s6 =	sld [smem:$0x3FA6]  }
0x2c: {  	s7 =	sld [smem:$0x3FA7]  }
0x2d: {  	s3 =	simm.s32 $0x108;
	s8 =	sld [smem:$0x3FA8]  }
0x2e: {  	s3 =	simm.s32 @!p0 $0x1082;
	s9 =	sld [smem:$0x3FA9]  }
0x2f: {  	lr =	sadd.s32 s0, s3;
	s0 =	sld [smem:$0x3FA0]  }
0x30: {  	s3 =	sld [smem:$0x3FA3]  }
0x31: {  	[smem:$0x3FAC] =	sst s10  }
0x32: {  	s10 =	sld [smem:$0x3FAA];
	_ =	sdelay $0x3  }
0x33: {  	p0 =	seq.s32 s10, $0x1;
	s10 =	sld [smem:$0x3FAC];
	_ =	sdelay $0x3  }
0x34: {  	[smem:$0x3FAC] =	sst s10  }
0x35: {  	s10 =	sld [smem:$0x3FAB];
	_ =	sdelay $0x3  }
0x36: {  	p1 =	seq.s32 s10, $0x1;
	s10 =	sld [smem:$0x3FAC];
	_ =	sdelay $0x3  }
0x37: {  	[smem:$0x3FAC] =	sst s10  }
0x38: {  	s10 =	sld [smem:$0x3FAD]  }
0x39: {  	_ = 	snop;
	(pc) =	sbr.ind lr, $3  }
0x3a: {  	_ = 	snop  }
0x3b: {  	_ = 	snop  }
0x3c: {  	p2 =	seq.s32 s10, $0x1;
	s10 =	sld [smem:$0x3FAC]  }
0x3d: {  	_ =	shalt  }
0x3e: {  	_ =	shalt  }
0x3f: {  	_ =	shalt  }
0x40: {  	_ =	shalt  }
0x41: {  	_ =	shalt  }
0x42: {  	_ =	shalt  }
0x43: {  	_ =	shalt  }
0x44: {  	_ =	shalt  }
0x45: {  	_ =	shalt  }
0x46: {  	_ =	shalt  }
0x47: {  	_ =	shalt  }
0x48: {  	_ =	shalt  }
0x49: {  	_ =	shalt  }
0x4a: {  	_ =	shalt  }
0x4b: {  	_ =	shalt  }
0x4c: {  	_ =	shalt  }
0x4d: {  	_ =	shalt  }
0x4e: {  	_ =	shalt  }
0x4f: {  	_ =	shalt  }
0x50: {  	_ =	shalt  }
0x51: {  	_ =	shalt  }
0x52: {  	_ =	shalt  }
0x53: {  	_ =	shalt  }
0x54: {  	_ =	shalt  }
0x55: {  	_ =	shalt  }
0x56: {  	_ =	shalt  }
0x57: {  	_ =	shalt  }
0x58: {  	_ =	shalt  }
0x59: {  	_ =	shalt  }
0x5a: {  	_ =	shalt  }
0x5b: {  	_ =	shalt  }
0x5c: {  	_ =	shalt  }
0x5d: {  	_ =	shalt  }
0x5e: {  	_ =	shalt  }
0x5f: {  	_ =	shalt  }
0x60: {  	_ =	shalt  }
0x61: {  	_ =	shalt  }
0x62: {  	_ =	shalt  }
0x63: {  	_ =	shalt  }
0x64: {  	_ =	shalt  }
0x65: {  	_ =	shalt  }
0x66: {  	_ =	shalt  }
0x67: {  	_ =	shalt  }
0x68: {  	_ =	shalt  }
0x69: {  	_ =	shalt  }
0x6a: {  	_ =	shalt  }
0x6b: {  	_ =	shalt  }
0x6c: {  	_ =	shalt  }
0x6d: {  	_ =	shalt  }
0x6e: {  	_ =	shalt  }
0x6f: {  	_ =	shalt  }
0x70: {  	_ =	shalt  }
0x71: {  	_ =	shalt  }
0x72: {  	_ =	shalt  }
0x73: {  	_ =	shalt  }
0x74: {  	_ =	shalt  }
0x75: {  	_ =	shalt  }
0x76: {  	_ =	shalt  }
0x77: {  	_ =	shalt  }
0x78: {  	_ =	shalt  }
0x79: {  	_ =	shalt  }
0x7a: {  	_ =	shalt  }
0x7b: {  	_ =	shalt  }
0x7c: {  	_ =	shalt  }
0x7d: {  	_ =	shalt  }
0x7e: {  	_ =	shalt  }
0x7f: {  	_ =	shalt  }
0x80: {  	_ =	shalt  }
0x81: {  	_ =	shalt  }
0x82: {  	_ =	shalt  }
0x83: {  	_ =	shalt  }
0x84: {  	_ =	shalt  }
0x85: {  	_ =	shalt  }
0x86: {  	_ =	shalt  }
0x87: {  	_ =	shalt  }
.Lfunc_end0:
.L_simem_size_0:
called_computation_lowered:
.L_overlay_start_0:
0x88: {  	s2 =	sld [smem:$0x3FD9]  }
0x89: {  	s3 =	sld [smem:$0x3FFE];
	_ =	sdelay $0x1  }
0x8a: {  	s1 =	srdreg.scid  }
0x8b: {  	s0 =	sand.u32 $0x1, s1  }
0x8c: {  	s17 =	sshll.u32 s0, $0xA;
	s2 =	sadd.s32 s3, s2  }
0x8d: {  	s2 =	sadd.s32 s2, s17  }
0x8e: {  	[smem:$0x3FB8] =	sst s2  }
0x8f: {  	_ = 	snop  }
0x90: {  	s2 =	sld [smem:$0x3FC9]  }
0x91: {  	s18 =	sld [smem:$0x3FD0];
	(tm) =	ssettm $0x1  }
0x92: {  	s4 =	sld [smem:$0x3FFB];
	_ =	sdelay $0x3  }
0x93: {  	_ =	strace s4  }
0x94: {  	s4 =	sld [smem:$0x3FFC];
	_ =	sdelay $0x3  }
0x95: {  	_ =	strace s4  }
0x96: {  	s4 =	sld [smem:$0x3FFD];
	_ =	sdelay $0x3  }
0x97: {  	_ =	strace s4  }
0x98: {  	_ =	strace $0x8FFFFFFF  }
0x99: {  	s19 =	sld [smem:$0x3FDB];
	_ =	sdelay $0x1  }
0x9a: {  	s5 =	simm.s32 $_scs_section_size  }
0x9b: {  	s6 =	simm.s32 $_size__tile_overlayer_lowered;
	s7 =	simm.s32 $_tile_overlayer_lowered  }
0x9c: {  	s22 =	simm.s32 $0x1BFF;
	s21 =	sshll.u32 s7, $0x1;
	s4 =	sadd.s32 s5, s19  }
0x9d: {  	s8 =	simm.s32 $0x0;
	s20 =	sshll.u32 s6, $0x1;
	s6 =	sadd.s32 s21, s4  }
0x9e: {  	[timem:s8], [sflag:s22] =	dma.local [hbm:s6], s20  }
0x9f: {  	_ =	swait.ge [sflag:s22], s20  }
0xa0: {  	s5 =	ssub.s32 $0x0, s20;
	[sflag:s22] =	ssyncset.done $0x0  }
0xa1: {  	[sflag:s22] =	ssyncadd.s32 s5;
	_ =	sdelay $0x1  }
0xa2: {  	s23 =	simm.s32 $0x1B8B  }
0xa3: {  	_ =	swait.ge [sflag:s23], $0x1  }
0xa4: {  	[sflag:s23] =	ssyncset.done $0x0  }
0xa5: {  	s25 =	simm.s32 $0x1B8E;
	s24 =	sld [smem:$0x3FFE];
	[sflag:s23] =	ssyncadd.s32 $0xFFFFFFFF  }
0xa6: {  	s26 =	simm.s32 $execute0_lowered;
	[smem:$0x3FD2] =	sst s25  }
0xa7: {  	s6 =	sshll.u32 s26, $0x1;
	_ =	strace $0x80000046;
	[dreg:$0x1] =	wrdreg $0xFFFFFFFF  }
0xa8: {  	s28 =	simm.s32 $_size_execute0_lowered;
	s4 =	sadd.s32 s4, s6;
	[dreg:$0x0] =	wrdreg $0x0  }
0xa9: {  	s6 =	sshll.u32 s28, $0x1;
	[dreg:$0x2] =	wrdreg s4  }
0xaa: {  	[dreg:$0x3] =	wrdreg s6  }
0xab: {  	[dreg:$0x4] =	wrdreg $0xC0  }
0xac: {  	_ =	task [dreg:s8], $0x5FFFF  }
0xad: {  	[dreg:$0x1] =	wrdreg $0xFFFFFFFF  }
0xae: {  	[dreg:$0x0] =	wrdreg $0x60  }
0xaf: {  	[dreg:$0x2] =	wrdreg s2  }
0xb0: {  	[dreg:$0x3] =	wrdreg s18  }
0xb1: {  	[dreg:$0x4] =	wrdreg s24  }
0xb2: {  	[dreg:$0x5] =	wrdreg $0x0  }
0xb3: {  	[dreg:$0x6] =	wrdreg $0x168000  }
0xb4: {  	[dreg:$0x7] =	wrdreg $0x9  }
0xb5: {  	_ =	task.clear_ibuf [dreg:s8], $0x8FFFF;
	_ =	strace $0x90000046  }
0xb6: {  	s29 =	simm.s32 $0x9;
	_ =	strace $0x80000048  }
0xb7: {  	_ =	swait.ge [sflag:s29], $0x1  }
0xb8: {  	[sflag:s29] =	ssyncadd.s32 $0xFFFFFFFF  }
0xb9: {  	_ =	strace $0x90000048  }
0xba: {  	_ =	sfence  }
0xbb: {  	s30 =	sld [smem:$0x0];
	_ =	sdelay $0x2  }
0xbc: {  	s31 =	sshll.u32 s1, $0xD;
	s1 =	sshrl.u32 s1, $0x2  }
0xbd: {  	s3 =	sand.u32 $0x4000, s31;
	s1 =	sadd.s32 s1, s30  }
0xbe: {  	s0 =	sor.u32 s3, s0;
	s1 =	sshll.u32 s1, $0x11  }
0xbf: {  	s0 =	sor.u32 s1, s0  }
0xc0: {  	s0 =	sadd.s32 $0x8F2B, s0  }
0xc1: {  	[sflag:s0] =	ssyncadd.remote.s32 $0x1  }
0xc2: {  	_ =	sfence.sel $0xFFFF  }
0xc3: {  	[dreg:$0x0] =	wrdreg $0xFFFFFFFF;
	(pc) =	sbr.abs _section_cstart, $3  }
0xc4: {  	[dreg:$0x1] =	wrdreg $0xFFFFFFFF  }
0xc5: {  	_ =	task.clear_ibuf [dreg:s8], $0x2FFFF;
	_ =	strace $0x9FFFFFFF  }
0xc6: {  	(tm) =	ssettm $0x7FFFFFFF  }
0xc7: {  	_ =	shalt  }
tec
execute0_lowered:
.L_overlay_start_1:
0x0: {  	(tag) =	ssettag $0x1  }
0x1: {  	s1 =	rddreg [dreg:$0x0]  }
0x2: {  	s0 =	rddreg [dreg:$0x1]  }
0x3: {  	s5 =	rddreg [dreg:$0x2]  }
0x4: {  	s2 =	rddreg [dreg:$0x3]  }
0x5: {  	s3 =	rddreg [dreg:$0x4];
	s4 =	simm.s32 $0x0  }
0x6: {  	s6 =	srdreg.scid;
	s7 =	stileid.u32;
	s29 =	simm.s32 $0x4  }
0x7: {  	s30 =	simm.s32 $0x6;
	s31 =	simm.s32 $0x168C0;
	[smem:$0x7FF] =	sst s4  }
0x8: {  	s6 =	sand.u32 $0x1, s6;
	s8 =	sshll.u32 s7, $0x1;
	s9 =	smul.u32 $0x2D0, s7  }
0x9: {  	s10 =	sadd.s32 $0x2A00, s5;
	s25 =	sadd.s32 $0x2800, s5;
	s5 =	sadd.s32 $0x2E00, s5  }
0xa: {  	s11 =	smul.u32 $0x5A000, s7;
	_ =	strace $0x80000047;
	s8 =	sor.u32 s6, s8  }
0xb: {  	[dreg:$0x6] =	wrdreg s10;
	s26 =	ssub.s32 $0x2, s6;
	s8 =	smul.u32 $0xA00, s8  }
0xc: {  	s22 =	smul.u32 $0x140, s7;
	[dreg:$0x7] =	wrdreg s25;
	s12 =	sshrl.u32 s26, $0x1  }
0xd: {  	s15 =	sshrl.u32 s11, $0x2;
	s12 =	ssub.s32 s26, s12;
	s13 =	sadd.s32 s0, s8  }
0xe: {  	s10 =	sadd.s32 s15, s2;
	s17 =	smax.u32 s12, $0x1;
	[dreg:$0x8] =	wrdreg s13  }
0xf: {  	p0 =	sne.s32 s7, $0x0;
	s18 =	sadd.s32 $0x1400, s10;
	[dreg:$0xb] =	wrdreg s17  }
0x10: {  	s28 =	smul.u32 $0x2D00, s6;
	s19 =	sadd.s32 $0x2800, s10;
	[dreg:$0xc] =	wrdreg s18  }
0x11: {  	s25 =	smul.u32 $0xA0, s6;
	s20 =	sadd.s32 $0x3C00, s10;
	[dreg:$0xd] =	wrdreg s19  }
0x12: {  	s6 =	smul.u32 $0x2D000, s6;
	s21 =	sadd.s32 $0x5000, s10;
	[dreg:$0xe] =	wrdreg s20  }
0x13: {  	s11 =	sadd.s32 s25, s22;
	s23 =	sadd.s32 $0x6400, s10;
	[dreg:$0xf] =	wrdreg s21  }
0x14: {  	s8 =	sadd.s32 s9, s28;
	s24 =	sadd.s32 $0x7800, s10;
	[dreg:$0x10] =	wrdreg s23  }
0x15: {  	s26 =	sadd.s32 $0x8C00, s10;
	s15 =	sshll.u32 s11, $0x4;
	[dreg:$0x11] =	wrdreg s24  }
0x16: {  	s22 =	sadd.s32 $0x10400, s10;
	s25 =	sadd.s32 $0x14000, s10;
	[dreg:$0x12] =	wrdreg s26  }
0x17: {  	s9 =	simm.s32 $0xC;
	s11 =	simm.s32 $0xB;
	[dreg:$0x1a] =	wrdreg s22  }
0x18: {  	s14 =	sadd.s32 $0x10, s13;
	s16 =	sadd.s32 $0x20, s13;
	[dreg:$0x1d] =	wrdreg s25  }
0x19: {  	s8 =	sshll.u32 s8, $0x4;
	s13 =	smul.u32 $0x2D00, s7;
	[dreg:$0x9] =	wrdreg s14  }
0x1a: {  	s0 =	sadd.s32 s15, s0;
	s17 =	sadd.s32 $0xC800, s10;
	[dreg:$0xa] =	wrdreg s16  }
0x1b: {  	s20 =	sadd.s32 $0xDC00, s10;
	s21 =	sadd.s32 $0xF000, s10;
	[dreg:$0x16] =	wrdreg s17  }
0x1c: {  	s23 =	sadd.s32 $0x11800, s10;
	s24 =	sadd.s32 $0x12C00, s10;
	[dreg:$0x18] =	wrdreg s20  }
0x1d: {  	s26 =	sadd.s32 $0x15400, s10;
	s22 =	simm.s32 $0x2;
	[dreg:$0x19] =	wrdreg s21  }
0x1e: {  	s28 =	sadd.s32 s5, s8;
	s5 =	sadd.s32 s6, s5;
	[dreg:$0x1b] =	wrdreg s23  }
0x1f: {  	s14 =	sadd.s32 $0xA000, s10;
	s16 =	sadd.s32 $0xB400, s10;
	[dreg:$0x1c] =	wrdreg s24  }
0x20: {  	s18 =	sadd.s32 $0x40, s0;
	s0 =	sadd.s32 $0x30, s0;
	[dreg:$0x1e] =	wrdreg s26  }
0x21: {  	s8 =	simm.s32 $0x16C40;
	s20 =	simm.s32 $0x5;
	[dreg:$0x14] =	wrdreg s14  }
0x22: {  	s6 =	simm.s32 $0x9;
	s26 =	simm.s32 $0x16A40;
	[dreg:$0x15] =	wrdreg s16  }
0x23: {  	s17 =	simm.s32 $0x169C0;
	s23 =	simm.s32 $0x16AC0;
	[smem:$0x7FC] =	sst s18  }
0x24: {  	s21 =	simm.s32 $0x1CC40;
	s5 =	sadd.s32 s13, s5;
	[smem:$0x7FD] =	sst s0  }
0x25: {  	[dreg:$0x13] =	wrdreg s28;
	s28 =	sadd.s32 $0x280, s28;
	s13 =	simm.s32 $0x168C0  }
0x26: {  	s16 =	simm.s32 $0x40;
	s14 =	simm.s32 $0x1AC40;
	s18 =	simm.s32 $0x3  }
0x27: {  	s0 =	simm.s32 $0x0;
	s19 =	sadd.s32 $0x780, s5;
	[dreg:$0x1f] =	wrdreg s28  }
0x28: {  	s5 =	simm.s32 $0x7;
	[dreg:$0x17] =	wrdreg s19;
	s19 =	simm.s32 $0x18C40  }
.LBB2_1:
0x29: {  	[smem:$0x7FB] =	sst s0  }
0x2a: {  	s7 =	rddreg [dreg:$0x6]  }
0x2b: {  	[tilespmem:s8], [sflag:$0xC] =	stream.linear.gather [hbm4b:s7+s4], $0x2000, $0x38;
	[tilespmem:$0x1EC40] =	vst v63  }
0x2c: {  	_ =	swait.ge [sflag:s9], $0x2000  }
0x2d: {  	s12 =	simm.s32 @!p0 $0x0;
	[sflag:s9] =	ssyncset.done $0x0  }
0x2e: {  	s15 =	simm.s32 @!p0 $0x1AC40;
	s7 =	rddreg [dreg:$0x7];
	[sflag:s9] =	ssyncadd.s32 $0xFFFFE000  }
0x2f: {  	[tilespmem:s15], [sflag:$0xC] =	stream.linear.gather @!p0 [hbm4b:s7+s12], $0x400, $0x38;
	[tilespmem:$0x1EC40] =	vst v63  }
0x30: {  	s12 =	simm.s32 @!p0 $0xC  }
0x31: {  	_ =	swait.ge @!p0 [sflag:s12], $0x400  }
0x32: {  	[sflag:s12] =	ssyncset.done @!p0 $0x0  }
0x33: {  	[sflag:s12] =	ssyncadd.s32 @!p0 $0xFFFFFC00  }
0x34: {  	[spmem:s3] =	stream.linear.scatter @!p0 [tilespmem:s15], [sflag:$0xC], $0x400, $0x38;
	[tilespmem:$0x1EC40] =	vst v63  }
0x35: {  	_ =	swait.ge @!p0 [sflag:s12], $0x400  }
0x36: {  	[sflag:s12] =	ssyncset.done @!p0 $0x0  }
0x37: {  	[sflag:s12] =	ssyncadd.s32 @!p0 $0xFFFFFC00  }
0x38: {  	[spmem:s10] =	stream.linear.scatter [tilespmem:s8], [sflag:$0xB], $0x1400, $0x38;
	[tilespmem:$0x1EC40] =	vst v63  }
0x39: {  	s15 =	rddreg [dreg:$0xc]  }
0x3a: {  	[spmem:s15] =	stream.linear.scatter [tilespmem:s8], [sflag:$0xB], $0x1400, $0x38;
	[tilespmem:$0x1EC40] =	vst v63  }
0x3b: {  	s24 =	rddreg [dreg:$0xd]  }
0x3c: {  	[spmem:s24] =	stream.linear.scatter [tilespmem:s8], [sflag:$0xB], $0x1400, $0x38;
	[tilespmem:$0x1EC40] =	vst v63  }
0x3d: {  	s25 =	rddreg [dreg:$0xe]  }
0x3e: {  	[spmem:s25] =	stream.linear.scatter [tilespmem:s8], [sflag:$0xB], $0x1400, $0x38;
	[tilespmem:$0x1EC40] =	vst v63  }
0x3f: {  	s0 =	rddreg [dreg:$0xf]  }
0x40: {  	[spmem:s0] =	stream.linear.scatter [tilespmem:s8], [sflag:$0xB], $0x1400, $0x38;
	[tilespmem:$0x1EC40] =	vst v63  }
0x41: {  	s12 =	rddreg [dreg:$0x10]  }
0x42: {  	[spmem:s12] =	stream.linear.scatter [tilespmem:s8], [sflag:$0xB], $0x1400, $0x38;
	[tilespmem:$0x1EC40] =	vst v63  }
0x43: {  	s15 =	rddreg [dreg:$0x11]  }
0x44: {  	[spmem:s15] =	stream.linear.scatter [tilespmem:s8], [sflag:$0xB], $0x1400, $0x38;
	[tilespmem:$0x1EC40] =	vst v63  }
0x45: {  	s24 =	rddreg [dreg:$0x12]  }
0x46: {  	[spmem:s24] =	stream.linear.scatter [tilespmem:s8], [sflag:$0xB], $0x1400, $0x38;
	[tilespmem:$0x1EC40] =	vst v63  }
0x47: {  	s25 =	rddreg [dreg:$0x14]  }
0x48: {  	[spmem:s25] =	stream.linear.scatter [tilespmem:s8], [sflag:$0xB], $0x1400, $0x38;
	[tilespmem:$0x1EC40] =	vst v63  }
0x49: {  	s0 =	rddreg [dreg:$0x15]  }
0x4a: {  	[spmem:s0] =	stream.linear.scatter [tilespmem:s8], [sflag:$0xB], $0x1400, $0x38;
	[tilespmem:$0x1EC40] =	vst v63  }
0x4b: {  	s12 =	rddreg [dreg:$0x16]  }
0x4c: {  	[spmem:s12] =	stream.linear.scatter [tilespmem:s8], [sflag:$0xB], $0x1400, $0x38;
	[tilespmem:$0x1EC40] =	vst v63  }
0x4d: {  	s15 =	rddreg [dreg:$0x18]  }
0x4e: {  	[spmem:s15] =	stream.linear.scatter [tilespmem:s8], [sflag:$0xB], $0x1400, $0x38;
	[tilespmem:$0x1EC40] =	vst v63  }
0x4f: {  	s24 =	rddreg [dreg:$0x19]  }
0x50: {  	[spmem:s24] =	stream.linear.scatter [tilespmem:s8], [sflag:$0xB], $0x1400, $0x38;
	[tilespmem:$0x1EC40] =	vst v63  }
0x51: {  	s25 =	rddreg [dreg:$0x1a]  }
0x52: {  	[spmem:s25] =	stream.linear.scatter [tilespmem:s8], [sflag:$0xB], $0x1400, $0x38;
	[tilespmem:$0x1EC40] =	vst v63  }
0x53: {  	s0 =	rddreg [dreg:$0x1b]  }
0x54: {  	[spmem:s0] =	stream.linear.scatter [tilespmem:s8], [sflag:$0xB], $0x1400, $0x38;
	[tilespmem:$0x1EC40] =	vst v63  }
0x55: {  	s12 =	rddreg [dreg:$0x1c]  }
0x56: {  	[spmem:s12] =	stream.linear.scatter [tilespmem:s8], [sflag:$0xB], $0x1400, $0x38;
	[tilespmem:$0x1EC40] =	vst v63  }
0x57: {  	s15 =	rddreg [dreg:$0x1d]  }
0x58: {  	[spmem:s15] =	stream.linear.scatter [tilespmem:s8], [sflag:$0xB], $0x1400, $0x38;
	[tilespmem:$0x1EC40] =	vst v63  }
0x59: {  	s24 =	rddreg [dreg:$0x1e]  }
0x5a: {  	[spmem:s24] =	stream.linear.scatter [tilespmem:s8], [sflag:$0xB], $0x1400, $0x38;
	[tilespmem:$0x1EC40] =	vst v63  }
0x5b: {  	_ =	swait.ge [sflag:s11], $0x1400  }
0x5c: {  	[sflag:s11] =	ssyncset.done $0x0  }
0x5d: {  	[sflag:s11] =	ssyncadd.s32 $0xFFFFEC00  }
0x5e: {  	_ =	swait.ge [sflag:s11], $0x1400  }
0x5f: {  	[sflag:s11] =	ssyncset.done $0x0  }
0x60: {  	[sflag:s11] =	ssyncadd.s32 $0xFFFFEC00  }
0x61: {  	_ =	swait.ge [sflag:s11], $0x1400  }
0x62: {  	[sflag:s11] =	ssyncset.done $0x0  }
0x63: {  	[sflag:s11] =	ssyncadd.s32 $0xFFFFEC00  }
0x64: {  	_ =	swait.ge [sflag:s11], $0x1400  }
0x65: {  	[sflag:s11] =	ssyncset.done $0x0  }
0x66: {  	[sflag:s11] =	ssyncadd.s32 $0xFFFFEC00  }
0x67: {  	_ =	swait.ge [sflag:s11], $0x1400  }
0x68: {  	[sflag:s11] =	ssyncset.done $0x0  }
0x69: {  	[sflag:s11] =	ssyncadd.s32 $0xFFFFEC00  }
0x6a: {  	_ =	swait.ge [sflag:s11], $0x1400  }
0x6b: {  	[sflag:s11] =	ssyncset.done $0x0  }
0x6c: {  	[sflag:s11] =	ssyncadd.s32 $0xFFFFEC00  }
0x6d: {  	_ =	swait.ge [sflag:s11], $0x1400  }
0x6e: {  	[sflag:s11] =	ssyncset.done $0x0  }
0x6f: {  	[sflag:s11] =	ssyncadd.s32 $0xFFFFEC00  }
0x70: {  	_ =	swait.ge [sflag:s11], $0x1400  }
0x71: {  	[sflag:s11] =	ssyncset.done $0x0  }
0x72: {  	[sflag:s11] =	ssyncadd.s32 $0xFFFFEC00  }
0x73: {  	_ =	swait.ge [sflag:s11], $0x1400  }
0x74: {  	[sflag:s11] =	ssyncset.done $0x0  }
0x75: {  	[sflag:s11] =	ssyncadd.s32 $0xFFFFEC00  }
0x76: {  	_ =	swait.ge [sflag:s11], $0x1400  }
0x77: {  	[sflag:s11] =	ssyncset.done $0x0  }
0x78: {  	[sflag:s11] =	ssyncadd.s32 $0xFFFFEC00  }
0x79: {  	_ =	swait.ge [sflag:s11], $0x1400  }
0x7a: {  	[sflag:s11] =	ssyncset.done $0x0  }
0x7b: {  	[sflag:s11] =	ssyncadd.s32 $0xFFFFEC00  }
0x7c: {  	_ =	swait.ge [sflag:s11], $0x1400  }
0x7d: {  	[sflag:s11] =	ssyncset.done $0x0  }
0x7e: {  	[sflag:s11] =	ssyncadd.s32 $0xFFFFEC00  }
0x7f: {  	_ =	swait.ge [sflag:s11], $0x1400  }
0x80: {  	[sflag:s11] =	ssyncset.done $0x0  }
0x81: {  	[sflag:s11] =	ssyncadd.s32 $0xFFFFEC00  }
0x82: {  	_ =	swait.ge [sflag:s11], $0x1400  }
0x83: {  	[sflag:s11] =	ssyncset.done $0x0  }
0x84: {  	[sflag:s11] =	ssyncadd.s32 $0xFFFFEC00  }
0x85: {  	_ =	swait.ge [sflag:s11], $0x1400  }
0x86: {  	[sflag:s11] =	ssyncset.done $0x0  }
0x87: {  	[sflag:s11] =	ssyncadd.s32 $0xFFFFEC00  }
0x88: {  	_ =	swait.ge [sflag:s11], $0x1400  }
0x89: {  	[sflag:s11] =	ssyncset.done $0x0  }
0x8a: {  	[sflag:s11] =	ssyncadd.s32 $0xFFFFEC00  }
0x8b: {  	_ =	swait.ge [sflag:s11], $0x1400  }
0x8c: {  	[sflag:s11] =	ssyncset.done $0x0  }
0x8d: {  	[sflag:s11] =	ssyncadd.s32 $0xFFFFEC00  }
0x8e: {  	_ =	swait.ge [sflag:s11], $0x1400  }
0x8f: {  	[sflag:s11] =	ssyncset.done $0x0  }
0x90: {  	[sflag:s11] =	ssyncadd.s32 $0xFFFFEC00  }
0x91: {  	[bflag:$0x0] =	sbarrier.arrive $0xFFFF  }
0x92: {  	s12 =	simm.s32 $0x16840;
	s25 =	rddreg [dreg:$0x8]  }
0x93: {  	[tilespmem:s12], [sflag:$0x1] =	stream.linear.gather [hbm4b:s25+s4], $0x80, $0x38;
	[tilespmem:$0x1EC40] =	vst v63  }
0x94: {  	s15 =	simm.s32 $0x1;
	s0 =	rddreg [dreg:$0x9]  }
0x95: {  	[tilespmem:s13], [sflag:$0x2] =	stream.linear.gather [hbm4b:s0+s4], $0x80, $0x38;
	[tilespmem:$0x1EC40] =	vst v63  }
0x96: {  	_ =	swait.ge [sflag:s15], $0x80  }
0x97: {  	[sflag:s15] =	ssyncset.done $0x0  }
0x98: {  	[sflag:s15] =	ssyncadd.s32 $0xFFFFFF80  }
0x99: {  	v0 =	vld [tilespmem:$0x16880]  }
0x9a: {  	v1 =	vld [tilespmem:$0x16890]  }
0x9b: {  	v3 =	vld [tilespmem:$0x168A0]  }
0x9c: {  	v57 =	vld [tilespmem:$0x168B0];
	_ =	sdelay $0x1  }
0x9d: {  	[tilespmem:$0x16940] =	vst v0  }
0x9e: {  	[tilespmem:$0x16950] =	vst v1  }
0x9f: {  	[tilespmem:$0x16960] =	vst v3  }
0xa0: {  	v2 =	vshra.s32 v0, $0x3;
	v0 =	vand.u32 $0x7, v0;
	[tilespmem:$0x16970] =	vst v57  }
0xa1: {  	v58 =	vand.u32 $0x7, v1;
	[tilespmem:$0x16B40] =	vst v0  }
0xa2: {  	v61 =	vand.u32 $0x7, v3;
	[tilespmem:$0x16B50] =	vst v58  }
0xa3: {  	v63 =	vand.u32 $0x7, v57;
	[tilespmem:$0x16B60] =	vst v61  }
0xa4: {  	v56 =	vshra.s32 v1, $0x3;
	v2 =	vadd.s32 $0x2800, v2;
	[tilespmem:$0x16B70] =	vst v63  }
0xa5: {  	v59 =	vshra.s32 v3, $0x3;
	v0 =	vadd.s32 $0x2800, v56;
	[tilespmem:$0x16A40] =	vst v2  }
0xa6: {  	v62 =	vshra.s32 v57, $0x3;
	v60 =	vadd.s32 $0x2800, v59;
	[tilespmem:$0x16A50] =	vst v0  }
0xa7: {  	[tilespmem:$0x16A60] =	vst v60;
	v0 =	vadd.s32 $0x2800, v62  }
0xa8: {  	[tilespmem:$0x16A70] =	vst v0  }
0xa9: {  	[tilespmem:s8], [sflag:$0x3] =	stream.indirect.gather [hbm4b:s1+s16], $0x80, s12, s16, $0xb8;
	[tilespmem:$0x1EC40] =	vst v63  }
0xaa: {  	s24 =	simm.s32 $0x16B40;
	s25 =	rddreg [dreg:$0xa]  }
0xab: {  	[tilespmem:s14], [sflag:$0x5] =	stream.indirect.gather [spmem:s3], $0x80, s24, s16, $0xb8;
	[tilespmem:$0x1EC40] =	vst v63  }
0xac: {  	s0 =	simm.s32 $0x1AC40;
	s28 =	sld [smem:$0x7FD];
	s15 =	simm.s32 $0x0  }
0xad: {  	[tilespmem:s12], [sflag:$0x1] =	stream.linear.gather [hbm4b:s25+s4], $0x80, $0x38;
	[tilespmem:$0x1EC40] =	vst v63  }
0xae: {  	s14 =	simm.s32 $0x16BC0;
	s24 =	sld [smem:$0x7FC];
	s12 =	simm.s32 $0x0  }
.LBB2_2:
0xaf: {  	_ =	swait.ge [sflag:s18], $0x2000  }
0xb0: {  	[sflag:s18] =	ssyncset.done $0x0  }
0xb1: {  	[sflag:s18] =	ssyncadd.s32 $0xFFFFE000  }
0xb2: {  	_ =	swait.ge [sflag:s20], $0x2000  }
0xb3: {  	[sflag:s20] =	ssyncset.done $0x0  }
0xb4: {  	s7 =	simm.s32 $0x16940;
	p1 =	seq.s32 s15, $0x0;
	[sflag:s20] =	ssyncadd.s32 $0xFFFFE000  }
0xb5: {  	[spmem:s2] =	stream.indirect.scatter.add.f32 [tilespmem:s8], [sflag:$0x7], $0x80, s7, s16, $0xb8;
	[tilespmem:$0x1EC40] =	vst v63  }
0xb6: {  	s25 =	simm.s32 @!p1 $0x8  }
0xb7: {  	[spmem:s2] =	stream.indirect.scatter.add.f32 [tilespmem:s0], [sflag:$0x9], $0x80, s26, s16, $0xb8;
	[tilespmem:$0x1EC40] =	vst v63  }
0xb8: {  	_ =	swait.ge @!p1 [sflag:s25], $0x2000  }
0xb9: {  	[sflag:s25] =	ssyncset.done @!p1 $0x0  }
0xba: {  	[sflag:s25] =	ssyncadd.s32 @!p1 $0xFFFFE000;
	s25 =	simm.s32 @!p1 $0xA  }
0xbb: {  	_ =	swait.ge @!p1 [sflag:s25], $0x2000  }
0xbc: {  	[sflag:s25] =	ssyncset.done @!p1 $0x0  }
0xbd: {  	[sflag:s25] =	ssyncadd.s32 @!p1 $0xFFFFE000  }
0xbe: {  	_ =	swait.ge [sflag:s22], $0x80  }
0xbf: {  	[sflag:s22] =	ssyncset.done $0x0  }
0xc0: {  	[sflag:s22] =	ssyncadd.s32 $0xFFFFFF80  }
0xc1: {  	v0 =	vld [tilespmem:$0x16900]  }
0xc2: {  	v1 =	vld [tilespmem:$0x16910]  }
0xc3: {  	v3 =	vld [tilespmem:$0x16920]  }
0xc4: {  	v58 =	vld [tilespmem:$0x16930];
	_ =	sdelay $0x1  }
0xc5: {  	[tilespmem:$0x169C0] =	vst v0  }
0xc6: {  	[tilespmem:$0x169D0] =	vst v1  }
0xc7: {  	[tilespmem:$0x169E0] =	vst v3  }
0xc8: {  	v2 =	vshra.s32 v0, $0x3;
	v0 =	vand.u32 $0x7, v0;
	[tilespmem:$0x169F0] =	vst v58  }
0xc9: {  	v59 =	vand.u32 $0x7, v1;
	[tilespmem:$0x16BC0] =	vst v0  }
0xca: {  	v61 =	vand.u32 $0x7, v3;
	[tilespmem:$0x16BD0] =	vst v59  }
0xcb: {  	v63 =	vand.u32 $0x7, v58;
	[tilespmem:$0x16BE0] =	vst v61  }
0xcc: {  	v57 =	vshra.s32 v1, $0x3;
	v2 =	vadd.s32 $0x2800, v2;
	[tilespmem:$0x16BF0] =	vst v63  }
0xcd: {  	v60 =	vshra.s32 v3, $0x3;
	v0 =	vadd.s32 $0x2800, v57;
	[tilespmem:$0x16AC0] =	vst v2  }
0xce: {  	v62 =	vshra.s32 v58, $0x3;
	[tilespmem:$0x16AD0] =	vst v0;
	v0 =	vadd.s32 $0x2800, v60  }
0xcf: {  	[tilespmem:$0x16AE0] =	vst v0;
	v0 =	vadd.s32 $0x2800, v62  }
0xd0: {  	[tilespmem:$0x16AF0] =	vst v0  }
0xd1: {  	[tilespmem:s19], [sflag:$0x4] =	stream.indirect.gather [hbm4b:s1+s16], $0x80, s31, s16, $0xb8;
	[tilespmem:$0x1EC40] =	vst v63  }
0xd2: {  	p1 =	seq.s32 s15, $0x9E0  }
0xd3: {  	[tilespmem:s21], [sflag:$0x6] =	stream.indirect.gather [spmem:s3], $0x80, s14, s16, $0xb8;
	[tilespmem:$0x1EC40] =	vst v63  }
0xd4: {  	s25 =	sadd.s32 @!p1 s15, s28;
	s13 =	simm.s32 @!p1 $0x0;
	s7 =	simm.s32 @!p1 $0x168C0  }
0xd5: {  	[tilespmem:s7], [sflag:$0x2] =	stream.linear.gather @!p1 [hbm4b:s25+s13], $0x80, $0x38;
	[tilespmem:$0x1EC40] =	vst v63  }
0xd6: {  	_ =	swait.ge [sflag:s29], $0x2000  }
0xd7: {  	[sflag:s29] =	ssyncset.done $0x0  }
0xd8: {  	[sflag:s29] =	ssyncadd.s32 $0xFFFFE000  }
0xd9: {  	_ =	swait.ge [sflag:s30], $0x2000  }
0xda: {  	[sflag:s30] =	ssyncset.done $0x0  }
0xdb: {  	[sflag:s30] =	ssyncadd.s32 $0xFFFFE000  }
0xdc: {  	[spmem:s2] =	stream.indirect.scatter.add.f32 [tilespmem:s19], [sflag:$0x8], $0x80, s17, s16, $0xb8;
	[tilespmem:$0x1EC40] =	vst v63  }
0xdd: {  	_ = 	snop  }
0xde: {  	[spmem:s2] =	stream.indirect.scatter.add.f32 [tilespmem:s21], [sflag:$0xA], $0x80, s23, s16, $0xb8;
	[tilespmem:$0x1EC40] =	vst v63  }
0xdf: {  	_ =	swait.ge [sflag:s5], $0x2000  }
0xe0: {  	[sflag:s5] =	ssyncset.done $0x0  }
0xe1: {  	[sflag:s5] =	ssyncadd.s32 $0xFFFFE000  }
0xe2: {  	_ =	swait.ge [sflag:s6], $0x2000  }
0xe3: {  	[sflag:s6] =	ssyncset.done $0x0  }
0xe4: {  	s7 =	simm.s32 @!p1 $0x1;
	[sflag:s6] =	ssyncadd.s32 $0xFFFFE000  }
0xe5: {  	_ =	swait.ge @!p1 [sflag:s7], $0x80  }
0xe6: {  	[sflag:s7] =	ssyncset.done @!p1 $0x0  }
0xe7: {  	[sflag:s7] =	ssyncadd.s32 @!p1 $0xFFFFFF80  }
0xe8: {  	v0 =	vld @!p1 [tilespmem:$0x16880]  }
0xe9: {  	v1 =	vld @!p1 [tilespmem:$0x16890];
	_ =	sdelay $0x2  }
0xea: {  	v3 =	vld @!p1 [tilespmem:$0x168A0]  }
0xeb: {  	[tilespmem:$0x16940] =	vst @!p1 v0  }
0xec: {  	v2 =	vshra.s32 @!p1 v0, $0x3;
	v0 =	vand.u32 @!p1 $0x7, v0;
	[tilespmem:$0x16950] =	vst @!p1 v1  }
0xed: {  	v2 =	vadd.s32 @!p1 $0x2800, v2;
	[tilespmem:$0x16B40] =	vst @!p1 v0  }
0xee: {  	v0 =	vshra.s32 @!p1 v1, $0x3;
	[tilespmem:$0x16A40] =	vst @!p1 v2;
	v2 =	vld @!p1 [tilespmem:$0x168B0]  }
0xef: {  	[tilespmem:$0x16960] =	vst @!p1 v3;
	v0 =	vadd.s32 @!p1 $0x2800, v0  }
0xf0: {  	[tilespmem:$0x16A50] =	vst @!p1 v0;
	v0 =	vand.u32 @!p1 $0x7, v1;
	v1 =	vshra.s32 @!p1 v3, $0x3  }
0xf1: {  	[tilespmem:$0x16B50] =	vst @!p1 v0;
	v0 =	vadd.s32 @!p1 $0x2800, v1  }
0xf2: {  	[tilespmem:$0x16A60] =	vst @!p1 v0;
	v0 =	vand.u32 @!p1 $0x7, v3  }
0xf3: {  	[tilespmem:$0x16B60] =	vst @!p1 v0;
	v0 =	vshra.s32 @!p1 v2, $0x3  }
0xf4: {  	[tilespmem:$0x16970] =	vst @!p1 v2;
	v0 =	vadd.s32 @!p1 $0x2800, v0  }
0xf5: {  	p2 =	sgt.u32 @!p1 s12, $0x4D;
	[tilespmem:$0x16A70] =	vst @!p1 v0;
	v0 =	vand.u32 @!p1 $0x7, v2  }
0xf6: {  	s13 =	simm.s32 @!p1 $0x16840;
	s25 =	simm.s32 @!p1 $0x16C40;
	s7 =	simm.s32 @!p1 $0x40;
	[tilespmem:$0x16B70] =	vst @!p1 v0  }
0xf7: {  	[tilespmem:s25], [sflag:$0x3] =	stream.indirect.gather @!p1 [hbm4b:s1+s7], $0x80, s13, s7, $0xb8;
	[tilespmem:$0x1EC40] =	vst v63  }
0xf8: {  	p2 =	por p2, p1;
	s13 =	simm.s32 @!p1 $0x16B40;
	s25 =	simm.s32 @!p1 $0x1AC40  }
0xf9: {  	[tilespmem:s25], [sflag:$0x5] =	stream.indirect.gather @!p1 [spmem:s3], $0x80, s13, s7, $0xb8;
	[tilespmem:$0x1EC40] =	vst v63  }
0xfa: {  	s7 =	sadd.s32 @!p2 s15, s24  }
0xfb: {  	s13 =	simm.s32 @!p2 $0x0;
	s25 =	simm.s32 @!p2 $0x16840;
	s15 =	sadd.s32 @!p1 $0x20, s15  }
0xfc: {  	[tilespmem:s25], [sflag:$0x1] =	stream.linear.gather @!p2 [hbm4b:s7+s13], $0x80, $0x38;
	[tilespmem:$0x1EC40] =	vst v63  }
0xfd: {  	p2 =	sne.s32 @!p1 s15, $0xA00  }
0xfe: {  	p2 =	por p1, !p2  }
.Ltmp0:
0xff: {  	_ = 	snop;
	(pc) =	sbr.rel @!p2 .LBB2_2-.Ltmp0, $2  }
0x100: {  	_ =	sdelay $0x2  }
0x101: {  	s12 =	sadd.s32 @!p1 $0x1, s12  }
0x102: {  	s0 =	simm.s32 $0x8  }
0x103: {  	_ =	swait.ge [sflag:s0], $0x2000  }
0x104: {  	[sflag:s0] =	ssyncset.done $0x0  }
0x105: {  	s13 =	simm.s32 $0xA;
	[sflag:s0] =	ssyncadd.s32 $0xFFFFE000  }
0x106: {  	_ =	swait.ge [sflag:s13], $0x2000  }
0x107: {  	[sflag:s13] =	ssyncset.done $0x0  }
0x108: {  	[sflag:s13] =	ssyncadd.s32 $0xFFFFE000  }
0x109: {  	[bflag:$0x0] =	sbarrier.arrive $0xFFFF  }
0x10a: {  	[tilespmem:s8], [sflag:$0xC] =	stream.linear.gather [spmem:s10], $0x1400, $0x38;
	[tilespmem:$0x1EC40] =	vst v63  }
0x10b: {  	_ =	swait.ge [sflag:s9], $0x1400  }
0x10c: {  	[sflag:s9] =	ssyncset.done $0x0  }
0x10d: {  	s7 =	simm.s32 $0x0;
	s12 =	rddreg [dreg:$0x13];
	[sflag:s9] =	ssyncadd.s32 $0xFFFFEC00  }
0x10e: {  	[hbm4b:s12+s7] =	stream.linear.scatter [tilespmem:s8], [sflag:$0xB], $0x1400, $0x38;
	[tilespmem:$0x1EC40] =	vst v63  }
0x10f: {  	s14 =	rddreg [dreg:$0xc]  }
0x110: {  	[tilespmem:s19], [sflag:$0xC] =	stream.linear.gather [spmem:s14], $0x1400, $0x38;
	[tilespmem:$0x1EC40] =	vst v63  }
0x111: {  	_ =	swait.ge [sflag:s9], $0x1400  }
0x112: {  	[sflag:s9] =	ssyncset.done $0x0  }
0x113: {  	s15 =	rddreg [dreg:$0x1f];
	[sflag:s9] =	ssyncadd.s32 $0xFFFFEC00  }
0x114: {  	[hbm4b:s15+s7] =	stream.linear.scatter [tilespmem:s19], [sflag:$0xB], $0x1400, $0x38;
	[tilespmem:$0x1EC40] =	vst v63  }
0x115: {  	_ =	swait.ge [sflag:s11], $0x1400  }
0x116: {  	s24 =	sadd.s32 $0x0, s10;
	[sflag:s11] =	ssyncset.done $0x0  }
0x117: {  	s25 =	sadd.s32 $0x2800, s24;
	[sflag:s11] =	ssyncadd.s32 $0xFFFFEC00  }
0x118: {  	[tilespmem:s8], [sflag:$0xC] =	stream.linear.gather [spmem:s25], $0x1400, $0x38;
	[tilespmem:$0x1EC40] =	vst v63  }
0x119: {  	_ =	swait.ge [sflag:s9], $0x1400  }
0x11a: {  	[sflag:s9] =	ssyncset.done $0x0;
	s25 =	rddreg [dreg:$0x17]  }
0x11b: {  	[sflag:s9] =	ssyncadd.s32 $0xFFFFEC00;
	s28 =	sadd.s32 $0xFFFFFD80, s25  }
0x11c: {  	[hbm4b:s28+s4] =	stream.linear.scatter [tilespmem:s8], [sflag:$0xB], $0x1400, $0x38;
	[tilespmem:$0x1EC40] =	vst v63  }
0x11d: {  	_ =	swait.ge [sflag:s11], $0x1400  }
0x11e: {  	[sflag:s11] =	ssyncset.done $0x0  }
0x11f: {  	s7 =	sadd.s32 $0x3C00, s24;
	[sflag:s11] =	ssyncadd.s32 $0xFFFFEC00  }
0x120: {  	[tilespmem:s19], [sflag:$0xC] =	stream.linear.gather [spmem:s7], $0x1400, $0x38;
	[tilespmem:$0x1EC40] =	vst v63  }
0x121: {  	_ =	swait.ge [sflag:s9], $0x1400  }
0x122: {  	[sflag:s9] =	ssyncset.done $0x0  }
0x123: {  	s12 =	simm.s32 $0xA000;
	s15 =	sadd.s32 $0x500, s25;
	[sflag:s9] =	ssyncadd.s32 $0xFFFFEC00  }
.LBB2_4:
0x124: {  	[hbm4b:s25+s4] =	stream.linear.scatter [tilespmem:s19], [sflag:$0xB], $0x1400, $0x38;
	[tilespmem:$0x1EC40] =	vst v63  }
0x125: {  	s7 =	sshra.s32 s12, $0x2;
	p1 =	sne.s32 s12, $0x46000;
	_ =	swait.ge [sflag:s11], $0x1400  }
0x126: {  	s12 =	sadd.s32 $0xA000, s12;
	s7 =	sadd.s32 s7, s10;
	[sflag:s11] =	ssyncset.done $0x0  }
0x127: {  	s25 =	smov.u32 s15;
	s13 =	sadd.s32 $0x2800, s7;
	[sflag:s11] =	ssyncadd.s32 $0xFFFFEC00  }
0x128: {  	[tilespmem:s8], [sflag:$0xC] =	stream.linear.gather [spmem:s13], $0x1400, $0x38;
	[tilespmem:$0x1EC40] =	vst v63  }
0x129: {  	_ =	swait.ge [sflag:s9], $0x1400  }
0x12a: {  	[sflag:s9] =	ssyncset.done $0x0  }
0x12b: {  	s13 =	sadd.s32 $0xFFFFFD80, s15;
	[sflag:s9] =	ssyncadd.s32 $0xFFFFEC00  }
0x12c: {  	[hbm4b:s13+s4] =	stream.linear.scatter [tilespmem:s8], [sflag:$0xB], $0x1400, $0x38;
	[tilespmem:$0x1EC40] =	vst v63  }
0x12d: {  	_ =	swait.ge [sflag:s11], $0x1400  }
0x12e: {  	[sflag:s11] =	ssyncset.done $0x0  }
.Ltmp1:
0x12f: {  	s7 =	sadd.s32 $0x3C00, s7;
	[sflag:s11] =	ssyncadd.s32 $0xFFFFEC00;
	(pc) =	sbr.rel @p1 .LBB2_4-.Ltmp1, $4  }
0x130: {  	[tilespmem:s19], [sflag:$0xC] =	stream.linear.gather [spmem:s7], $0x1400, $0x38;
	[tilespmem:$0x1EC40] =	vst v63  }
0x131: {  	_ =	swait.ge [sflag:s9], $0x1400  }
0x132: {  	[sflag:s9] =	ssyncset.done $0x0  }
0x133: {  	s15 =	sadd.s32 $0x500, s15;
	[sflag:s9] =	ssyncadd.s32 $0xFFFFEC00  }
0x134: {  	[hbm4b:s25+s4] =	stream.linear.scatter [tilespmem:s19], [sflag:$0xB], $0x1400, $0x38;
	[tilespmem:$0x1EC40] =	vst v63  }
0x135: {  	_ =	swait.ge [sflag:s11], $0x1400  }
0x136: {  	[sflag:s11] =	ssyncset.done $0x0  }
0x137: {  	[sflag:s11] =	ssyncadd.s32 $0xFFFFEC00  }
0x138: {  	_ =	swait.ge [sflag:s11], $0x1400  }
0x139: {  	s0 =	sld [smem:$0x7FB];
	_ =	sdelay $0x2  }
0x13a: {  	s7 =	rddreg [dreg:$0xb];
	s0 =	sadd.s32 $0x1, s0  }
0x13b: {  	p1 =	sne.s32 s0, s7  }
.Ltmp2:
0x13c: {  	_ = 	snop;
	(pc) =	sbr.rel @p1 .LBB2_1-.Ltmp2, $3  }
0x13d: {  	_ =	sdelay $0x1  }
0x13e: {  	[sflag:s11] =	ssyncset.done $0x0  }
0x13f: {  	s13 =	simm.s32 $0x168C0;
	s14 =	simm.s32 $0x1AC40;
	[sflag:s11] =	ssyncadd.s32 $0xFFFFEC00  }
0x140: {  	_ =	sfence.sel $0x180000  }
0x141: {  	[bflag:$0x0] =	sbarrier.arrive $0xFFFF  }
0x142: {  	_ =	strace $0x90000047  }
0x143: {  	[bflag:$0x2] =	sbarrier.arrive $0xFFFF  }
0x144: {  	s0 =	rddreg [dreg:$0x5]  }
0x145: {  	s0 =	sadd.s32 @!p0 $0x100000, s0  }
0x146: {  	[sflag:s0] =	ssyncadd.tile.s32 @!p0 $0x1;
	_ =	shalt  }
.Lfunc_end2:
_tile_overlayer_lowered:
.L_overlay_start_2:
0x147: {  	(tag) =	ssettag $0x2  }
0x148: {  	s0 =	rddreg [dreg:$0x0];
	s2 =	stileid.u32  }
0x149: {  	s1 =	rddreg [dreg:$0x1];
	p0 =	sne.s32 s2, $0x0  }
0x14a: {  	s3 =	rddreg [dreg:$0x2];
	[bflag:$0x3] =	sbarrier.arrive $0xFFFF;
	s2 =	simm.s32 @!p0 $0x1C0C  }
0x14b: {  	[timem:s3], [sflag:s2] =	dma.local @!p0 [hbm:s0], s1  }
0x14c: {  	s0 =	simm.s32 @!p0 $0xC  }
0x14d: {  	_ =	swait.ge @!p0 [sflag:s0], s1  }
0x14e: {  	s1 =	ssub.s32 @!p0 $0x0, s1;
	[sflag:s0] =	ssyncset.done @!p0 $0x0  }
0x14f: {  	[sflag:s0] =	ssyncadd.s32 @!p0 s1  }
0x150: {  	[bflag:$0x3] =	sbarrier.arrive $0xFFFF  }
0x151: {  	_ =	shalt  }

</sc_bundles>
